<compile_context>
chip_gen: v7x
topology: tpu7x:2x2x1
jax: 0.10.2.dev20260603
libtpu: 0.0.44.dev20260713+nightly
codegen_flags: <defaults>
</compile_context>

<pallas_src>
import functools

import jax
import jax.numpy as jnp
from jax import lax
from jax.experimental import pallas as pl
from jax.experimental.pallas import tpu as pltpu
from jax.experimental.pallas import tpu_sc as plsc

N_ENTS = 10000
H = 128
R2 = 400
NE = 320000

NC = 2
NS = 16
NW = NC * NS
CH = 128
NCH = 80
EW = NCH * CH
NEP = NW * EW
NBUF = 2

NP = 10240
RP = 512
PAD_DST = 10200
PAD_REL = 500
PCH = 80
ROWS_W = NP // NS
RROWS_W = RP // NS

_SLOPE = (1.0 / 8.0 + 1.0 / 3.0) / 2.0


def _wid():
    c = lax.axis_index("c")
    s = lax.axis_index("s")
    return c, s, c * NS + s


def _seq_pass(tab_hbm, sidx_hbm, didx_hbm, base, gb, db, rb, sem, acc_sh):
    def chunk(i, carry):
        off = base + i * CH
        pltpu.sync_copy(sidx_hbm.at[pl.ds(off, CH)], gb)
        pltpu.async_copy(tab_hbm.at[gb], rb, sem).wait()
        pltpu.sync_copy(didx_hbm.at[pl.ds(off, CH)], db)
        pltpu.sync_copy(rb, acc_sh.at[db], add=True)
        return carry

    lax.fori_loop(0, NCH, chunk, 0)


def _sc_pool_body(h_hbm, rte_hbm, rrel_hbm, dst_hbm, ones_hbm,
                  zpool_hbm, zcnt_hbm, zdeg_hbm,
                  pool_out, cnt_out, deg_out,
                  idx_e, idx_r, idx_d, rows_v, ones_v,
                  pool_sh, cnt_sh, deg_sh, sem):
    c, s, wid = _wid()
    rr0 = s * RROWS_W
    r0 = s * ROWS_W
    pltpu.sync_copy(zpool_hbm.at[pl.ds(rr0, RROWS_W)],
                    pool_sh.at[pl.ds(rr0, RROWS_W)])
    pltpu.sync_copy(zcnt_hbm.at[pl.ds(rr0, RROWS_W)],
                    cnt_sh.at[pl.ds(rr0, RROWS_W)])
    pltpu.sync_copy(zdeg_hbm.at[pl.ds(r0, ROWS_W)],
                    deg_sh.at[pl.ds(r0, ROWS_W)])
    pltpu.sync_copy(ones_hbm, ones_v)
    plsc.subcore_barrier()
    base = wid * EW

    def chunk(i, carry):
        off = base + i * PCH
        pltpu.sync_copy(rte_hbm.at[pl.ds(off, PCH)], idx_e)
        pltpu.async_copy(h_hbm.at[idx_e], rows_v, sem).wait()
        pltpu.sync_copy(rrel_hbm.at[pl.ds(off, PCH)], idx_r)
        pltpu.sync_copy(dst_hbm.at[pl.ds(off, PCH)], idx_d)
        pltpu.sync_copy(rows_v, pool_sh.at[idx_r], add=True)
        pltpu.sync_copy(ones_v, cnt_sh.at[idx_r], add=True)
        pltpu.sync_copy(ones_v, deg_sh.at[idx_d], add=True)
        return carry

    lax.fori_loop(0, EW // PCH, chunk, 0)
    plsc.subcore_barrier()
    pltpu.sync_copy(pool_sh.at[pl.ds(rr0, RROWS_W)],
                    pool_out.at[c, pl.ds(rr0, RROWS_W)])
    pltpu.sync_copy(cnt_sh.at[pl.ds(rr0, RROWS_W)],
                    cnt_out.at[c, pl.ds(rr0, RROWS_W)])
    pltpu.sync_copy(deg_sh.at[pl.ds(r0, ROWS_W)],
                    deg_out.at[c, pl.ds(r0, ROWS_W)])


@functools.lru_cache(maxsize=None)
def _get_sc_pool():
    return pl.kernel(
        _sc_pool_body,
        out_type=(jax.ShapeDtypeStruct((NC, RP, H), jnp.float32),
                  jax.ShapeDtypeStruct((NC, RP, H), jnp.float32),
                  jax.ShapeDtypeStruct((NC, NP, H), jnp.float32)),
        mesh=plsc.VectorSubcoreMesh(core_axis_name="c", subcore_axis_name="s",
                                    num_cores=NC, num_subcores=NS),
        scratch_types=[
            pltpu.VMEM((PCH,), jnp.int32),
            pltpu.VMEM((PCH,), jnp.int32),
            pltpu.VMEM((PCH,), jnp.int32),
            pltpu.VMEM((PCH, H), jnp.float32),
            pltpu.VMEM((PCH, H), jnp.float32),
            pltpu.VMEM_SHARED((RP, H), jnp.float32),
            pltpu.VMEM_SHARED((RP, H), jnp.float32),
            pltpu.VMEM_SHARED((NP, H), jnp.float32),
            pltpu.SemaphoreType.DMA,
        ],
    )


def _sc_pool(*args):
    return _get_sc_pool()(*args)


def _sc_layer_a_body(h_hbm, h0_hbm, src_hbm, et_hbm, dst_hbm, zacc_hbm,
                     rel_out, agg1_out,
                     gb, db, rb, acc_sh, sem):
    c, s, wid = _wid()
    r0 = s * ROWS_W
    pltpu.sync_copy(zacc_hbm.at[pl.ds(r0, ROWS_W)],
                    acc_sh.at[pl.ds(r0, ROWS_W)])
    plsc.subcore_barrier()
    base = wid * EW
    _seq_pass(h0_hbm, et_hbm, dst_hbm, base, gb, db, rb, sem, acc_sh)
    plsc.subcore_barrier()
    pltpu.sync_copy(acc_sh.at[pl.ds(r0, ROWS_W)],
                    rel_out.at[c, pl.ds(r0, ROWS_W)])
    plsc.subcore_barrier()
    _seq_pass(h_hbm, src_hbm, dst_hbm, base, gb, db, rb, sem, acc_sh)
    plsc.subcore_barrier()
    pltpu.sync_copy(acc_sh.at[pl.ds(r0, ROWS_W)],
                    agg1_out.at[c, pl.ds(r0, ROWS_W)])


@functools.lru_cache(maxsize=None)
def _get_sc_layer_a():
    return pl.kernel(
        _sc_layer_a_body,
        out_type=(jax.ShapeDtypeStruct((NC, NP, H), jnp.float32),
                  jax.ShapeDtypeStruct((NC, NP, H), jnp.float32)),
        mesh=plsc.VectorSubcoreMesh(core_axis_name="c", subcore_axis_name="s",
                                    num_cores=NC, num_subcores=NS),
        scratch_types=[
            pltpu.VMEM((CH,), jnp.int32),
            pltpu.VMEM((CH,), jnp.int32),
            pltpu.VMEM((CH, H), jnp.float32),
            pltpu.VMEM_SHARED((NP, H), jnp.float32),
            pltpu.SemaphoreType.DMA,
        ],
    )


def _sc_layer_a(*args):
    return _get_sc_layer_a()(*args)


def _sc_layer_b_body(cur_hbm, src_hbm, dst_hbm, rel_hbm,
                     agg2_out,
                     gb, db, rb, acc_sh, sem):
    c, s, wid = _wid()
    r0 = s * ROWS_W
    pltpu.sync_copy(rel_hbm.at[c, pl.ds(r0, ROWS_W)],
                    acc_sh.at[pl.ds(r0, ROWS_W)])
    plsc.subcore_barrier()
    _seq_pass(cur_hbm, src_hbm, dst_hbm, wid * EW, gb, db, rb, sem, acc_sh)
    plsc.subcore_barrier()
    pltpu.sync_copy(acc_sh.at[pl.ds(r0, ROWS_W)],
                    agg2_out.at[c, pl.ds(r0, ROWS_W)])


@functools.lru_cache(maxsize=None)
def _get_sc_layer_b():
    return pl.kernel(
        _sc_layer_b_body,
        out_type=jax.ShapeDtypeStruct((NC, NP, H), jnp.float32),
        mesh=plsc.VectorSubcoreMesh(core_axis_name="c", subcore_axis_name="s",
                                    num_cores=NC, num_subcores=NS),
        scratch_types=[
            pltpu.VMEM((CH,), jnp.int32),
            pltpu.VMEM((CH,), jnp.int32),
            pltpu.VMEM((CH, H), jnp.float32),
            pltpu.VMEM_SHARED((NP, H), jnp.float32),
            pltpu.SemaphoreType.DMA,
        ],
    )


def _sc_layer_b(*args):
    return _get_sc_layer_b()(*args)


def _l2_body(x_ref, o_ref):
    x = x_ref[...]
    n = jnp.sqrt(jnp.sum(x * x, axis=-1, keepdims=True))
    o_ref[...] = x / jnp.maximum(n, 1e-12)


def _tc_l2(x):
    nb = 8
    rb = x.shape[0] // nb
    return pl.pallas_call(
        _l2_body,
        grid=(nb,),
        in_specs=[pl.BlockSpec((rb, H), lambda i: (i, 0))],
        out_specs=pl.BlockSpec((rb, H), lambda i: (i, 0)),
        out_shape=jax.ShapeDtypeStruct(x.shape, jnp.float32),
    )(x)


def _dot_t(a, b):
    return lax.dot_general(a, b, (((1,), (1,)), ((), ())),
                           preferred_element_type=jnp.float32)


def _gru_body(er_ref, pool_ref, cnt_ref, wih_ref, whh_ref, bih_ref, bhh_ref,
              h0_ref):
    er = er_ref[...]
    sums = pool_ref[0, :R2, :] + pool_ref[1, :R2, :]
    cnts = cnt_ref[0, :R2, 0:1] + cnt_ref[1, :R2, 0:1]
    x_mean = sums / jnp.maximum(cnts, 1.0)
    wih = wih_ref[...]
    gi = (_dot_t(er, wih[:, :H]) + _dot_t(x_mean, wih[:, H:])
          + bih_ref[...])
    gh = _dot_t(er, whh_ref[...]) + bhh_ref[...]
    r = jax.nn.sigmoid(gi[:, :H] + gh[:, :H])
    z = jax.nn.sigmoid(gi[:, H:2 * H] + gh[:, H:2 * H])
    n = jnp.tanh(gi[:, 2 * H:] + r * gh[:, 2 * H:])
    h0 = (1.0 - z) * n + z * er
    nn = jnp.sqrt(jnp.sum(h0 * h0, axis=-1, keepdims=True))
    h0_ref[...] = h0 / jnp.maximum(nn, 1e-12)


def _tc_gru(emb_rel, pool, cnt, w_ih, w_hh, b_ih, b_hh):
    return pl.pallas_call(
        _gru_body,
        out_shape=jax.ShapeDtypeStruct((R2, H), jnp.float32),
    )(emb_rel, pool, cnt, w_ih, w_hh, b_ih, b_hh)


def _layer_body(agg_ref, deg_ref, cur_ref, wn_ref, wl_ref, we_ref, o_ref):
    a = agg_ref[0] + agg_ref[1]
    deg = deg_ref[0, :, 0:1] + deg_ref[1, :, 0:1]
    norm = 1.0 / jnp.maximum(deg, 1.0)
    cur = cur_ref[...]
    agg = jnp.dot(a, wn_ref[...], preferred_element_type=jnp.float32) * norm
    loop = jnp.where(deg > 0,
                     jnp.dot(cur, wl_ref[...],
                             preferred_element_type=jnp.float32),
                     jnp.dot(cur, we_ref[...],
                             preferred_element_type=jnp.float32))
    x = agg + loop
    o_ref[...] = jnp.where(x >= 0, x, x * _SLOPE)


def _tc_layer(agg, deg, cur, wn, wl, we):
    nb = 8
    rb = NP // nb
    wspec = pl.BlockSpec((H, H), lambda i: (0, 0))
    return pl.pallas_call(
        _layer_body,
        grid=(nb,),
        in_specs=[
            pl.BlockSpec((NC, rb, H), lambda i: (0, i, 0)),
            pl.BlockSpec((NC, rb, H), lambda i: (0, i, 0)),
            pl.BlockSpec((rb, H), lambda i: (i, 0)),
            wspec, wspec, wspec,
        ],
        out_specs=pl.BlockSpec((rb, H), lambda i: (i, 0)),
        out_shape=jax.ShapeDtypeStruct((NP, H), jnp.float32),
    )(agg, deg, cur, wn, wl, we)


def _final_body(agg_ref, deg_ref, cur_ref, h_ref, wn_ref, wl_ref, we_ref,
                tw_ref, tb_ref, o_ref):
    a = agg_ref[0] + agg_ref[1]
    deg = deg_ref[0, :, 0:1] + deg_ref[1, :, 0:1]
    norm = 1.0 / jnp.maximum(deg, 1.0)
    cur = cur_ref[...]
    agg = jnp.dot(a, wn_ref[...], preferred_element_type=jnp.float32) * norm
    loop = jnp.where(deg > 0,
                     jnp.dot(cur, wl_ref[...],
                             preferred_element_type=jnp.float32),
                     jnp.dot(cur, we_ref[...],
                             preferred_element_type=jnp.float32))
    x = agg + loop
    cur2 = jnp.where(x >= 0, x, x * _SLOPE)
    nn = jnp.sqrt(jnp.sum(cur2 * cur2, axis=-1, keepdims=True))
    cur2 = cur2 / jnp.maximum(nn, 1e-12)
    h = h_ref[...]
    tw = jax.nn.sigmoid(jnp.dot(h, tw_ref[...],
                                preferred_element_type=jnp.float32)
                        + tb_ref[...])
    o_ref[...] = tw * cur2 + (1.0 - tw) * h


def _tc_final(agg, deg, cur1, h, wn, wl, we, time_w, time_b):
    nb = 8
    rb = NP // nb
    wspec = pl.BlockSpec((H, H), lambda i: (0, 0))
    return pl.pallas_call(
        _final_body,
        grid=(nb,),
        in_specs=[
            pl.BlockSpec((NC, rb, H), lambda i: (0, i, 0)),
            pl.BlockSpec((NC, rb, H), lambda i: (0, i, 0)),
            pl.BlockSpec((rb, H), lambda i: (i, 0)),
            pl.BlockSpec((rb, H), lambda i: (i, 0)),
            wspec, wspec, wspec, wspec,
            pl.BlockSpec((1, H), lambda i: (0, 0)),
        ],
        out_specs=pl.BlockSpec((rb, H), lambda i: (i, 0)),
        out_shape=jax.ShapeDtypeStruct((NP, H), jnp.float32),
    )(agg, deg, cur1, h, wn, wl, we, time_w, time_b)


def kernel(edge_index, edge_type, r_to_e, r_rel, dynamic_emb, emb_rel,
           gru_w_ih, gru_w_hh, gru_b_ih, gru_b_hh, time_w, time_b,
           wn0, wl0, we0, wn1, wl1, we1):
    f32 = jnp.float32
    i32 = jnp.int32
    npad = NEP - NE

    spread = jnp.arange(npad, dtype=i32)

    def _pad3(x, fill_base, fill_mod):
        x = x.astype(i32)
        x = jnp.concatenate([x, fill_base + spread % fill_mod])
        return x.reshape(NW, NCH, CH)

    src = _pad3(edge_index[0], 0, N_ENTS).reshape(-1)
    dst = _pad3(edge_index[1], N_ENTS, NP - N_ENTS).reshape(-1)
    et = _pad3(edge_type, 0, R2).reshape(-1)
    rte = _pad3(r_to_e, 0, N_ENTS).reshape(-1)
    rrel = _pad3(r_rel, R2, RP - R2).reshape(-1)
    dst_flat = dst

    emb_pad = jnp.zeros((NP, H), f32).at[:N_ENTS].set(dynamic_emb)
    ones = jnp.ones((PCH, H), f32)
    zpool = jnp.zeros((RP, H), f32)
    zcnt = jnp.zeros((RP, H), f32)
    zdeg = jnp.zeros((NP, H), f32)
    zacc = jnp.zeros((NP, H), f32)

    h = _tc_l2(emb_pad)
    pool, cnt, deg = _sc_pool(h, rte, rrel, dst_flat, ones, zpool, zcnt, zdeg)
    h0 = _tc_gru(emb_rel, pool, cnt, gru_w_ih, gru_w_hh,
                 gru_b_ih.reshape(1, -1), gru_b_hh.reshape(1, -1))
    rel, agg1 = _sc_layer_a(h, h0, src, et, dst, zacc)
    cur1 = _tc_layer(agg1, deg, h, wn0, wl0, we0)
    agg2 = _sc_layer_b(cur1, src, dst, rel)
    out = _tc_final(agg2, deg, cur1, h, wn1, wl1, we1,
                    time_w, time_b.reshape(1, -1))
    return out[:N_ENTS]

# --- scband reference (transcript-rebuilt; emitter-appended) ---
"""Pipeline reference for scband-recurrent-rgcn-59339268162230 (READ-ONLY COPY).

The authoritative reference and input builder live on the scoring server;
editing this copy changes nothing except your own understanding.
"""

import jax, jax.numpy as jnp
import numpy as np

N_ENTS = 10000
H_DIM = 128
NUM_RELS2 = 400
N_EDGES = 320000


def _l2norm(x, eps=1e-12):
    n = jnp.sqrt(jnp.sum(x * x, axis=-1, keepdims=True))
    return x / jnp.maximum(n, eps)


def _rrelu_eval(x, lower=1.0 / 8.0, upper=1.0 / 3.0):
    slope = (lower + upper) / 2.0
    return jnp.where(x >= 0, x, x * slope)


def _gru_cell(x, h, w_ih, w_hh, b_ih, b_hh):
    gi = x @ w_ih.T + b_ih
    gh = h @ w_hh.T + b_hh
    i_r, i_z, i_n = jnp.split(gi, 3, axis=1)
    h_r, h_z, h_n = jnp.split(gh, 3, axis=1)
    r = jax.nn.sigmoid(i_r + h_r)
    z = jax.nn.sigmoid(i_z + h_z)
    n = jnp.tanh(i_n + r * h_n)
    return (1.0 - z) * n + z * h


def setup_inputs(seed: int = 0):
    key = jax.random.key(seed)
    ks = jax.random.split(key, 20)
    s = 1.0 / np.sqrt(H_DIM)
    inp = {}
    inp['edge_index'] = jax.random.randint(ks[0], (2, N_EDGES), 0, N_ENTS)
    inp['edge_type'] = jax.random.randint(ks[1], (N_EDGES,), 0, NUM_RELS2)
    inp['r_to_e'] = jax.random.randint(ks[2], (N_EDGES,), 0, N_ENTS)
    inp['r_rel'] = jnp.sort(jax.random.randint(ks[3], (N_EDGES,), 0, NUM_RELS2))
    inp['dynamic_emb'] = jax.random.normal(ks[4], (N_ENTS, H_DIM), jnp.float32)
    inp['emb_rel'] = jax.random.normal(ks[5], (NUM_RELS2, H_DIM), jnp.float32) * s
    inp['gru_w_ih'] = jax.random.normal(ks[6], (3 * H_DIM, 2 * H_DIM), jnp.float32) * s
    inp['gru_w_hh'] = jax.random.normal(ks[7], (3 * H_DIM, H_DIM), jnp.float32) * s
    inp['gru_b_ih'] = jnp.zeros((3 * H_DIM,), jnp.float32)
    inp['gru_b_hh'] = jnp.zeros((3 * H_DIM,), jnp.float32)
    inp['time_w'] = jax.random.normal(ks[8], (H_DIM, H_DIM), jnp.float32) * s
    inp['time_b'] = jnp.zeros((H_DIM,), jnp.float32)
    inp['wn0'] = jax.random.normal(ks[9], (H_DIM, H_DIM), jnp.float32) * s
    inp['wl0'] = jax.random.normal(ks[10], (H_DIM, H_DIM), jnp.float32) * s
    inp['we0'] = jax.random.normal(ks[11], (H_DIM, H_DIM), jnp.float32) * s
    inp['wn1'] = jax.random.normal(ks[12], (H_DIM, H_DIM), jnp.float32) * s
    inp['wl1'] = jax.random.normal(ks[13], (H_DIM, H_DIM), jnp.float32) * s
    inp['we1'] = jax.random.normal(ks[14], (H_DIM, H_DIM), jnp.float32) * s
    return inp


def reference(edge_index, edge_type, r_to_e, r_rel, dynamic_emb, emb_rel,
              gru_w_ih, gru_w_hh, gru_b_ih, gru_b_hh, time_w, time_b,
              wn0, wl0, we0, wn1, wl1, we1):
    N = dynamic_emb.shape[0]
    R2 = emb_rel.shape[0]
    # layer_norm=True -> F.normalize on entity embeddings
    h = _l2norm(dynamic_emb)
    # per-relation mean pooling over involved entities (r_to_e grouped by r_len spans)
    temp_e = h[r_to_e]
    sums = jax.ops.segment_sum(temp_e, r_rel, num_segments=R2)
    cnts = jax.ops.segment_sum(jnp.ones((r_rel.shape[0],), jnp.float32), r_rel, num_segments=R2)
    x_mean = sums / jnp.maximum(cnts, 1.0)[:, None]
    # relation evolution via GRUCell
    x_input = jnp.concatenate([emb_rel, x_mean], axis=1)
    h0 = _gru_cell(x_input, emb_rel, gru_w_ih, gru_w_hh, gru_b_ih, gru_b_hh)
    h0 = _l2norm(h0)
    # UnionRGCN layers (2 hidden layers, msg = (h_src + rel[etype]) @ W_n, sum-agg * 1/in_deg, self-loop)
    src = edge_index[0]
    dst = edge_index[1]
    in_deg = jax.ops.segment_sum(jnp.ones((src.shape[0],), jnp.float32), dst, num_segments=N)
    norm = 1.0 / jnp.maximum(in_deg, 1.0)
    cur = h
    for (wn, wl, we) in [(wn0, wl0, we0), (wn1, wl1, we1)]:
        msg = (cur[src] + h0[edge_type]) @ wn
        agg = jax.ops.segment_sum(msg, dst, num_segments=N) * norm[:, None]
        loop = jnp.where((in_deg > 0)[:, None], cur @ wl, cur @ we)
        cur = _rrelu_eval(agg + loop)
    cur = _l2norm(cur)
    # time gate
    tw = jax.nn.sigmoid(h @ time_w + time_b)
    h_new = tw * cur + (1.0 - tw) * h
    return h_new

if __name__ == "__main__":
    import jax
    _d = setup_inputs()
    print(jax.jit(kernel)(*tuple(_d.values())))

</pallas_src>

<mosaic_0001>
#map = affine_map<(d0, d1) -> (0, 0)>
#map1 = affine_map<(d0, d1) -> (0)>
#map2 = affine_map<(d0, d1) -> (0, 0, 0)>
module attributes {stable_mosaic.version = 14 : i64} {
  func.func @_sc_layer_a_body(%arg0: i32, %arg1: i32, %arg2: memref<10240x128xf32, #tpu.memory_space<hbm>>, %arg3: memref<400x128xf32, #tpu.memory_space<hbm>>, %arg4: memref<327680xi32, #tpu.memory_space<hbm>>, %arg5: memref<327680xi32, #tpu.memory_space<hbm>>, %arg6: memref<327680xi32, #tpu.memory_space<hbm>>, %arg7: memref<10240x128xf32, #tpu.memory_space<hbm>>, %arg8: memref<2x10240x128xf32, #tpu.memory_space<hbm>>, %arg9: memref<2x10240x128xf32, #tpu.memory_space<hbm>>, %arg10: memref<128xi32, #tpu.memory_space<vmem>>, %arg11: memref<128xi32, #tpu.memory_space<vmem>>, %arg12: memref<128x128xf32, #tpu.memory_space<vmem>>, %arg13: memref<10240x128xf32, #tpu.memory_space<vmem_shared>>, %arg14: memref<!tpu.dma_semaphore, #tpu.memory_space<semaphore_mem>>) attributes {dimension_semantics = [#tpu.dimension_semantics<core_parallel>, #tpu.dimension_semantics<subcore_parallel>], iteration_bounds = array<i64: 2, 16>, scalar_prefetch = 0 : i64, scratch_operands = 5 : i64, tpu.core_type = #tpu.core_type<sc_vector_subcore>, window_params = [{transform_indices = #map}, {transform_indices = #map}, {transform_indices = #map1}, {transform_indices = #map1}, {transform_indices = #map1}, {transform_indices = #map}, {transform_indices = #map2}, {transform_indices = #map2}]} {
    %mul3A = arith.constant 16 : i32
    %mul3A_0 = arith.muli %arg0, %mul3A : i32
    %add3A = arith.addi %mul3A_0, %arg1 : i32
    %mul3A_1 = arith.constant 640 : i32
    %mul3A_2 = arith.muli %arg1, %mul3A_1 : i32
    "tpu.region"() ({
      %run_scoped3A = tpu.sem_alloc : memref<!tpu.dma_semaphore, #tpu.memory_space<semaphore_mem>>
      %dma_start3A = arith.constant 0 : i32
      %dma_start3A_19 = tpu.memref_slice %arg13[%mul3A_2, %dma_start3A] : memref<10240x128xf32, #tpu.memory_space<vmem_shared>> -> memref<640x128xf32, #tpu.memory_space<vmem_shared>>
      %dma_start3A_20 = arith.constant 0 : i32
      %dma_start3A_21 = tpu.memref_slice %arg7[%mul3A_2, %dma_start3A_20] : memref<10240x128xf32, #tpu.memory_space<hbm>> -> memref<640x128xf32, #tpu.memory_space<hbm>>
      tpu.enqueue_dma source(%dma_start3A_21 : memref<640x128xf32, #tpu.memory_space<hbm>>) target(%dma_start3A_19 : memref<640x128xf32, #tpu.memory_space<vmem_shared>>) target_semaphore(%run_scoped3A : memref<!tpu.dma_semaphore, #tpu.memory_space<semaphore_mem>>)
      %dma_wait3A = arith.constant 0 : i32
      %dma_wait3A_22 = tpu.memref_slice %arg13[%mul3A_2, %dma_wait3A] : memref<10240x128xf32, #tpu.memory_space<vmem_shared>> -> memref<640x128xf32, #tpu.memory_space<vmem_shared>>
      %dma_wait3A_23 = arith.constant 0 : i32
      %dma_wait3A_24 = tpu.memref_slice %arg7[%mul3A_2, %dma_wait3A_23] : memref<10240x128xf32, #tpu.memory_space<hbm>> -> memref<640x128xf32, #tpu.memory_space<hbm>>
      tpu.wait_dma2 semaphore(%run_scoped3A : memref<!tpu.dma_semaphore, #tpu.memory_space<semaphore_mem>>) src(%dma_wait3A_24 : memref<640x128xf32, #tpu.memory_space<hbm>>) dst(%dma_wait3A_22 : memref<640x128xf32, #tpu.memory_space<vmem_shared>>)
      tpu.yield
    }) : () -> ()
    %barrier3A = arith.constant 0 : index
    tpu.barrier barrier_id(%barrier3A)
    %mul3A_3 = arith.constant 10240 : i32
    %mul3A_4 = arith.muli %add3A, %mul3A_3 : i32
    %scan3A = arith.constant 0 : i32
    %scan3A_5 = arith.constant 0 : i32
    %scan3A_6 = arith.constant 80 : i32
    %scan3A_7 = arith.addi %scan3A_5, %scan3A_6 : i32
    %scan3A_8 = arith.constant 1 : i32
    scf.for %scan3A_19 = %scan3A_5 to %scan3A_7 step %scan3A_8  : i32 {
      %mul3A_20 = arith.constant 128 : i32
      %mul3A_21 = arith.muli %scan3A_19, %mul3A_20 : i32
      %add3A_22 = arith.addi %mul3A_4, %mul3A_21 : i32
      "tpu.region"() ({
        %run_scoped3A = tpu.sem_alloc : memref<!tpu.dma_semaphore, #tpu.memory_space<semaphore_mem>>
        %dma_start3A_27 = tpu.memref_slice %arg5[%add3A_22] : memref<327680xi32, #tpu.memory_space<hbm>> -> memref<128xi32, #tpu.memory_space<hbm>>
        %dma_start3A_28 = tpu.memref_slice %arg5[%add3A_22] : memref<327680xi32, #tpu.memory_space<hbm>> -> memref<128xi32, #tpu.memory_space<hbm>>
        tpu.enqueue_dma source(%dma_start3A_28 : memref<128xi32, #tpu.memory_space<hbm>>) target(%arg10 : memref<128xi32, #tpu.memory_space<vmem>>) target_semaphore(%run_scoped3A : memref<!tpu.dma_semaphore, #tpu.memory_space<semaphore_mem>>)
        %dma_wait3A_29 = tpu.memref_slice %arg5[%add3A_22] : memref<327680xi32, #tpu.memory_space<hbm>> -> memref<128xi32, #tpu.memory_space<hbm>>
        %dma_wait3A_30 = tpu.memref_slice %arg5[%add3A_22] : memref<327680xi32, #tpu.memory_space<hbm>> -> memref<128xi32, #tpu.memory_space<hbm>>
        tpu.wait_dma2 semaphore(%run_scoped3A : memref<!tpu.dma_semaphore, #tpu.memory_space<semaphore_mem>>) src(%dma_wait3A_30 : memref<128xi32, #tpu.memory_space<hbm>>) dst(%arg10 : memref<128xi32, #tpu.memory_space<vmem>>)
        tpu.yield
      }) : () -> ()
      %dma_start3A = arith.constant 0 : i32
      %dma_start3A_23 = arith.constant 0 : i32
      %dma_start3A_24 = tpu.memref_slice %arg3[%dma_start3A, %dma_start3A_23] : memref<400x128xf32, #tpu.memory_space<hbm>> -> memref<400x128xf32, #tpu.memory_space<hbm>>
      tpu.enqueue_indirect_dma source(%dma_start3A_24 : memref<400x128xf32, #tpu.memory_space<hbm>>) target(%arg12 : memref<128x128xf32, #tpu.memory_space<vmem>>) offsets(%arg10 : memref<128xi32, #tpu.memory_space<vmem>>) semaphore(%arg14 : memref<!tpu.dma_semaphore, #tpu.memory_space<semaphore_mem>>)
      %dma_wait3A = arith.constant 0 : i32
      %dma_wait3A_25 = arith.constant 0 : i32
      %dma_wait3A_26 = tpu.memref_slice %arg3[%dma_wait3A, %dma_wait3A_25] : memref<400x128xf32, #tpu.memory_space<hbm>> -> memref<400x128xf32, #tpu.memory_space<hbm>>
      tpu.wait_indirect_dma semaphore(%arg14 : memref<!tpu.dma_semaphore, #tpu.memory_space<semaphore_mem>>) src(%dma_wait3A_26 : memref<400x128xf32, #tpu.memory_space<hbm>>) dst(%arg12 : memref<128x128xf32, #tpu.memory_space<vmem>>)
      "tpu.region"() ({
        %run_scoped3A = tpu.sem_alloc : memref<!tpu.dma_semaphore, #tpu.memory_space<semaphore_mem>>
        %dma_start3A_27 = tpu.memref_slice %arg6[%add3A_22] : memref<327680xi32, #tpu.memory_space<hbm>> -> memref<128xi32, #tpu.memory_space<hbm>>
        %dma_start3A_28 = tpu.memref_slice %arg6[%add3A_22] : memref<327680xi32, #tpu.memory_space<hbm>> -> memref<128xi32, #tpu.memory_space<hbm>>
        tpu.enqueue_dma source(%dma_start3A_28 : memref<128xi32, #tpu.memory_space<hbm>>) target(%arg11 : memref<128xi32, #tpu.memory_space<vmem>>) target_semaphore(%run_scoped3A : memref<!tpu.dma_semaphore, #tpu.memory_space<semaphore_mem>>)
        %dma_wait3A_29 = tpu.memref_slice %arg6[%add3A_22] : memref<327680xi32, #tpu.memory_space<hbm>> -> memref<128xi32, #tpu.memory_space<hbm>>
        %dma_wait3A_30 = tpu.memref_slice %arg6[%add3A_22] : memref<327680xi32, #tpu.memory_space<hbm>> -> memref<128xi32, #tpu.memory_space<hbm>>
        tpu.wait_dma2 semaphore(%run_scoped3A : memref<!tpu.dma_semaphore, #tpu.memory_space<semaphore_mem>>) src(%dma_wait3A_30 : memref<128xi32, #tpu.memory_space<hbm>>) dst(%arg11 : memref<128xi32, #tpu.memory_space<vmem>>)
        tpu.yield
      }) : () -> ()
      "tpu.region"() ({
        %run_scoped3A = tpu.sem_alloc : memref<!tpu.dma_semaphore, #tpu.memory_space<semaphore_mem>>
        %dma_start3A_27 = arith.constant 0 : i32
        %dma_start3A_28 = arith.constant 0 : i32
        %dma_start3A_29 = tpu.memref_slice %arg13[%dma_start3A_27, %dma_start3A_28] : memref<10240x128xf32, #tpu.memory_space<vmem_shared>> -> memref<10240x128xf32, #tpu.memory_space<vmem_shared>>
        tpu.enqueue_indirect_dma source(%arg12 : memref<128x128xf32, #tpu.memory_space<vmem>>) target(%dma_start3A_29 : memref<10240x128xf32, #tpu.memory_space<vmem_shared>>) offsets(%arg11 : memref<128xi32, #tpu.memory_space<vmem>>) semaphore(%run_scoped3A : memref<!tpu.dma_semaphore, #tpu.memory_space<semaphore_mem>>) {add = true}
        %dma_wait3A_30 = arith.constant 0 : i32
        %dma_wait3A_31 = arith.constant 0 : i32
        %dma_wait3A_32 = tpu.memref_slice %arg13[%dma_wait3A_30, %dma_wait3A_31] : memref<10240x128xf32, #tpu.memory_space<vmem_shared>> -> memref<10240x128xf32, #tpu.memory_space<vmem_shared>>
        tpu.wait_indirect_dma semaphore(%run_scoped3A : memref<!tpu.dma_semaphore, #tpu.memory_space<semaphore_mem>>) src(%arg12 : memref<128x128xf32, #tpu.memory_space<vmem>>) dst(%dma_wait3A_32 : memref<10240x128xf32, #tpu.memory_space<vmem_shared>>)
        tpu.yield
      }) : () -> ()
    }
    %scan3A_9 = arith.constant 80 : i32
    %barrier3A_10 = arith.constant 0 : index
    tpu.barrier barrier_id(%barrier3A_10)
    "tpu.region"() ({
      %run_scoped3A = tpu.sem_alloc : memref<!tpu.dma_semaphore, #tpu.memory_space<semaphore_mem>>
      %dma_start3A = arith.constant 0 : i32
      %dma_start3A_19 = tpu.memref_slice %arg8[%arg0, %mul3A_2, %dma_start3A] : memref<2x10240x128xf32, #tpu.memory_space<hbm>> -> memref<1x640x128xf32, #tpu.memory_space<hbm>>
      %dma_start3A_20 = tpu.memref_squeeze %dma_start3A_19 : memref<1x640x128xf32, #tpu.memory_space<hbm>> -> memref<640x128xf32, #tpu.memory_space<hbm>>
      %dma_start3A_21 = arith.constant 0 : i32
      %dma_start3A_22 = tpu.memref_slice %arg13[%mul3A_2, %dma_start3A_21] : memref<10240x128xf32, #tpu.memory_space<vmem_shared>> -> memref<640x128xf32, #tpu.memory_space<vmem_shared>>
      tpu.enqueue_dma source(%dma_start3A_22 : memref<640x128xf32, #tpu.memory_space<vmem_shared>>) target(%dma_start3A_20 : memref<640x128xf32, #tpu.memory_space<hbm>>) target_semaphore(%run_scoped3A : memref<!tpu.dma_semaphore, #tpu.memory_space<semaphore_mem>>)
      %dma_wait3A = arith.constant 0 : i32
      %dma_wait3A_23 = tpu.memref_slice %arg8[%arg0, %mul3A_2, %dma_wait3A] : memref<2x10240x128xf32, #tpu.memory_space<hbm>> -> memref<1x640x128xf32, #tpu.memory_space<hbm>>
      %dma_wait3A_24 = tpu.memref_squeeze %dma_wait3A_23 : memref<1x640x128xf32, #tpu.memory_space<hbm>> -> memref<640x128xf32, #tpu.memory_space<hbm>>
      %dma_wait3A_25 = arith.constant 0 : i32
      %dma_wait3A_26 = tpu.memref_slice %arg13[%mul3A_2, %dma_wait3A_25] : memref<10240x128xf32, #tpu.memory_space<vmem_shared>> -> memref<640x128xf32, #tpu.memory_space<vmem_shared>>
      tpu.wait_dma2 semaphore(%run_scoped3A : memref<!tpu.dma_semaphore, #tpu.memory_space<semaphore_mem>>) src(%dma_wait3A_26 : memref<640x128xf32, #tpu.memory_space<vmem_shared>>) dst(%dma_wait3A_24 : memref<640x128xf32, #tpu.memory_space<hbm>>)
      tpu.yield
    }) : () -> ()
    %barrier3A_11 = arith.constant 0 : index
    tpu.barrier barrier_id(%barrier3A_11)
    %scan3A_12 = arith.constant 0 : i32
    %scan3A_13 = arith.constant 0 : i32
    %scan3A_14 = arith.constant 80 : i32
    %scan3A_15 = arith.addi %scan3A_13, %scan3A_14 : i32
    %scan3A_16 = arith.constant 1 : i32
    scf.for %scan3A_19 = %scan3A_13 to %scan3A_15 step %scan3A_16  : i32 {
      %mul3A_20 = arith.constant 128 : i32
      %mul3A_21 = arith.muli %scan3A_19, %mul3A_20 : i32
      %add3A_22 = arith.addi %mul3A_4, %mul3A_21 : i32
      "tpu.region"() ({
        %run_scoped3A = tpu.sem_alloc : memref<!tpu.dma_semaphore, #tpu.memory_space<semaphore_mem>>
        %dma_start3A_27 = tpu.memref_slice %arg4[%add3A_22] : memref<327680xi32, #tpu.memory_space<hbm>> -> memref<128xi32, #tpu.memory_space<hbm>>
        %dma_start3A_28 = tpu.memref_slice %arg4[%add3A_22] : memref<327680xi32, #tpu.memory_space<hbm>> -> memref<128xi32, #tpu.memory_space<hbm>>
        tpu.enqueue_dma source(%dma_start3A_28 : memref<128xi32, #tpu.memory_space<hbm>>) target(%arg10 : memref<128xi32, #tpu.memory_space<vmem>>) target_semaphore(%run_scoped3A : memref<!tpu.dma_semaphore, #tpu.memory_space<semaphore_mem>>)
        %dma_wait3A_29 = tpu.memref_slice %arg4[%add3A_22] : memref<327680xi32, #tpu.memory_space<hbm>> -> memref<128xi32, #tpu.memory_space<hbm>>
        %dma_wait3A_30 = tpu.memref_slice %arg4[%add3A_22] : memref<327680xi32, #tpu.memory_space<hbm>> -> memref<128xi32, #tpu.memory_space<hbm>>
        tpu.wait_dma2 semaphore(%run_scoped3A : memref<!tpu.dma_semaphore, #tpu.memory_space<semaphore_mem>>) src(%dma_wait3A_30 : memref<128xi32, #tpu.memory_space<hbm>>) dst(%arg10 : memref<128xi32, #tpu.memory_space<vmem>>)
        tpu.yield
      }) : () -> ()
      %dma_start3A = arith.constant 0 : i32
      %dma_start3A_23 = arith.constant 0 : i32
      %dma_start3A_24 = tpu.memref_slice %arg2[%dma_start3A, %dma_start3A_23] : memref<10240x128xf32, #tpu.memory_space<hbm>> -> memref<10240x128xf32, #tpu.memory_space<hbm>>
      tpu.enqueue_indirect_dma source(%dma_start3A_24 : memref<10240x128xf32, #tpu.memory_space<hbm>>) target(%arg12 : memref<128x128xf32, #tpu.memory_space<vmem>>) offsets(%arg10 : memref<128xi32, #tpu.memory_space<vmem>>) semaphore(%arg14 : memref<!tpu.dma_semaphore, #tpu.memory_space<semaphore_mem>>)
      %dma_wait3A = arith.constant 0 : i32
      %dma_wait3A_25 = arith.constant 0 : i32
      %dma_wait3A_26 = tpu.memref_slice %arg2[%dma_wait3A, %dma_wait3A_25] : memref<10240x128xf32, #tpu.memory_space<hbm>> -> memref<10240x128xf32, #tpu.memory_space<hbm>>
      tpu.wait_indirect_dma semaphore(%arg14 : memref<!tpu.dma_semaphore, #tpu.memory_space<semaphore_mem>>) src(%dma_wait3A_26 : memref<10240x128xf32, #tpu.memory_space<hbm>>) dst(%arg12 : memref<128x128xf32, #tpu.memory_space<vmem>>)
      "tpu.region"() ({
        %run_scoped3A = tpu.sem_alloc : memref<!tpu.dma_semaphore, #tpu.memory_space<semaphore_mem>>
        %dma_start3A_27 = tpu.memref_slice %arg6[%add3A_22] : memref<327680xi32, #tpu.memory_space<hbm>> -> memref<128xi32, #tpu.memory_space<hbm>>
        %dma_start3A_28 = tpu.memref_slice %arg6[%add3A_22] : memref<327680xi32, #tpu.memory_space<hbm>> -> memref<128xi32, #tpu.memory_space<hbm>>
        tpu.enqueue_dma source(%dma_start3A_28 : memref<128xi32, #tpu.memory_space<hbm>>) target(%arg11 : memref<128xi32, #tpu.memory_space<vmem>>) target_semaphore(%run_scoped3A : memref<!tpu.dma_semaphore, #tpu.memory_space<semaphore_mem>>)
        %dma_wait3A_29 = tpu.memref_slice %arg6[%add3A_22] : memref<327680xi32, #tpu.memory_space<hbm>> -> memref<128xi32, #tpu.memory_space<hbm>>
        %dma_wait3A_30 = tpu.memref_slice %arg6[%add3A_22] : memref<327680xi32, #tpu.memory_space<hbm>> -> memref<128xi32, #tpu.memory_space<hbm>>
        tpu.wait_dma2 semaphore(%run_scoped3A : memref<!tpu.dma_semaphore, #tpu.memory_space<semaphore_mem>>) src(%dma_wait3A_30 : memref<128xi32, #tpu.memory_space<hbm>>) dst(%arg11 : memref<128xi32, #tpu.memory_space<vmem>>)
        tpu.yield
      }) : () -> ()
      "tpu.region"() ({
        %run_scoped3A = tpu.sem_alloc : memref<!tpu.dma_semaphore, #tpu.memory_space<semaphore_mem>>
        %dma_start3A_27 = arith.constant 0 : i32
        %dma_start3A_28 = arith.constant 0 : i32
        %dma_start3A_29 = tpu.memref_slice %arg13[%dma_start3A_27, %dma_start3A_28] : memref<10240x128xf32, #tpu.memory_space<vmem_shared>> -> memref<10240x128xf32, #tpu.memory_space<vmem_shared>>
        tpu.enqueue_indirect_dma source(%arg12 : memref<128x128xf32, #tpu.memory_space<vmem>>) target(%dma_start3A_29 : memref<10240x128xf32, #tpu.memory_space<vmem_shared>>) offsets(%arg11 : memref<128xi32, #tpu.memory_space<vmem>>) semaphore(%run_scoped3A : memref<!tpu.dma_semaphore, #tpu.memory_space<semaphore_mem>>) {add = true}
        %dma_wait3A_30 = arith.constant 0 : i32
        %dma_wait3A_31 = arith.constant 0 : i32
        %dma_wait3A_32 = tpu.memref_slice %arg13[%dma_wait3A_30, %dma_wait3A_31] : memref<10240x128xf32, #tpu.memory_space<vmem_shared>> -> memref<10240x128xf32, #tpu.memory_space<vmem_shared>>
        tpu.wait_indirect_dma semaphore(%run_scoped3A : memref<!tpu.dma_semaphore, #tpu.memory_space<semaphore_mem>>) src(%arg12 : memref<128x128xf32, #tpu.memory_space<vmem>>) dst(%dma_wait3A_32 : memref<10240x128xf32, #tpu.memory_space<vmem_shared>>)
        tpu.yield
      }) : () -> ()
    }
    %scan3A_17 = arith.constant 80 : i32
    %barrier3A_18 = arith.constant 0 : index
    tpu.barrier barrier_id(%barrier3A_18)
    "tpu.region"() ({
      %run_scoped3A = tpu.sem_alloc : memref<!tpu.dma_semaphore, #tpu.memory_space<semaphore_mem>>
      %dma_start3A = arith.constant 0 : i32
      %dma_start3A_19 = tpu.memref_slice %arg9[%arg0, %mul3A_2, %dma_start3A] : memref<2x10240x128xf32, #tpu.memory_space<hbm>> -> memref<1x640x128xf32, #tpu.memory_space<hbm>>
      %dma_start3A_20 = tpu.memref_squeeze %dma_start3A_19 : memref<1x640x128xf32, #tpu.memory_space<hbm>> -> memref<640x128xf32, #tpu.memory_space<hbm>>
      %dma_start3A_21 = arith.constant 0 : i32
      %dma_start3A_22 = tpu.memref_slice %arg13[%mul3A_2, %dma_start3A_21] : memref<10240x128xf32, #tpu.memory_space<vmem_shared>> -> memref<640x128xf32, #tpu.memory_space<vmem_shared>>
      tpu.enqueue_dma source(%dma_start3A_22 : memref<640x128xf32, #tpu.memory_space<vmem_shared>>) target(%dma_start3A_20 : memref<640x128xf32, #tpu.memory_space<hbm>>) target_semaphore(%run_scoped3A : memref<!tpu.dma_semaphore, #tpu.memory_space<semaphore_mem>>)
      %dma_wait3A = arith.constant 0 : i32
      %dma_wait3A_23 = tpu.memref_slice %arg9[%arg0, %mul3A_2, %dma_wait3A] : memref<2x10240x128xf32, #tpu.memory_space<hbm>> -> memref<1x640x128xf32, #tpu.memory_space<hbm>>
      %dma_wait3A_24 = tpu.memref_squeeze %dma_wait3A_23 : memref<1x640x128xf32, #tpu.memory_space<hbm>> -> memref<640x128xf32, #tpu.memory_space<hbm>>
      %dma_wait3A_25 = arith.constant 0 : i32
      %dma_wait3A_26 = tpu.memref_slice %arg13[%mul3A_2, %dma_wait3A_25] : memref<10240x128xf32, #tpu.memory_space<vmem_shared>> -> memref<640x128xf32, #tpu.memory_space<vmem_shared>>
      tpu.wait_dma2 semaphore(%run_scoped3A : memref<!tpu.dma_semaphore, #tpu.memory_space<semaphore_mem>>) src(%dma_wait3A_26 : memref<640x128xf32, #tpu.memory_space<vmem_shared>>) dst(%dma_wait3A_24 : memref<640x128xf32, #tpu.memory_space<hbm>>)
      tpu.yield
    }) : () -> ()
    return
  }
}

#map = affine_map<(d0, d1) -> (0, 0)>
#map1 = affine_map<(d0, d1) -> (0)>
#map2 = affine_map<(d0, d1) -> (0, 0, 0)>
module attributes {stable_mosaic.version = 14 : i64} {
  func.func @_sc_layer_b_body(%arg0: i32, %arg1: i32, %arg2: memref<10240x128xf32, #tpu.memory_space<hbm>>, %arg3: memref<327680xi32, #tpu.memory_space<hbm>>, %arg4: memref<327680xi32, #tpu.memory_space<hbm>>, %arg5: memref<2x10240x128xf32, #tpu.memory_space<hbm>>, %arg6: memref<2x10240x128xf32, #tpu.memory_space<hbm>>, %arg7: memref<128xi32, #tpu.memory_space<vmem>>, %arg8: memref<128xi32, #tpu.memory_space<vmem>>, %arg9: memref<128x128xf32, #tpu.memory_space<vmem>>, %arg10: memref<10240x128xf32, #tpu.memory_space<vmem_shared>>, %arg11: memref<!tpu.dma_semaphore, #tpu.memory_space<semaphore_mem>>) attributes {dimension_semantics = [#tpu.dimension_semantics<core_parallel>, #tpu.dimension_semantics<subcore_parallel>], iteration_bounds = array<i64: 2, 16>, scalar_prefetch = 0 : i64, scratch_operands = 5 : i64, tpu.core_type = #tpu.core_type<sc_vector_subcore>, window_params = [{transform_indices = #map}, {transform_indices = #map1}, {transform_indices = #map1}, {transform_indices = #map2}, {transform_indices = #map2}]} {
    %mul3A = arith.constant 16 : i32
    %mul3A_0 = arith.muli %arg0, %mul3A : i32
    %add3A = arith.addi %mul3A_0, %arg1 : i32
    %mul3A_1 = arith.constant 640 : i32
    %mul3A_2 = arith.muli %arg1, %mul3A_1 : i32
    "tpu.region"() ({
      %run_scoped3A = tpu.sem_alloc : memref<!tpu.dma_semaphore, #tpu.memory_space<semaphore_mem>>
      %dma_start3A = arith.constant 0 : i32
      %dma_start3A_11 = tpu.memref_slice %arg10[%mul3A_2, %dma_start3A] : memref<10240x128xf32, #tpu.memory_space<vmem_shared>> -> memref<640x128xf32, #tpu.memory_space<vmem_shared>>
      %dma_start3A_12 = arith.constant 0 : i32
      %dma_start3A_13 = tpu.memref_slice %arg5[%arg0, %mul3A_2, %dma_start3A_12] : memref<2x10240x128xf32, #tpu.memory_space<hbm>> -> memref<1x640x128xf32, #tpu.memory_space<hbm>>
      %dma_start3A_14 = tpu.memref_squeeze %dma_start3A_13 : memref<1x640x128xf32, #tpu.memory_space<hbm>> -> memref<640x128xf32, #tpu.memory_space<hbm>>
      tpu.enqueue_dma source(%dma_start3A_14 : memref<640x128xf32, #tpu.memory_space<hbm>>) target(%dma_start3A_11 : memref<640x128xf32, #tpu.memory_space<vmem_shared>>) target_semaphore(%run_scoped3A : memref<!tpu.dma_semaphore, #tpu.memory_space<semaphore_mem>>)
      %dma_wait3A = arith.constant 0 : i32
      %dma_wait3A_15 = tpu.memref_slice %arg10[%mul3A_2, %dma_wait3A] : memref<10240x128xf32, #tpu.memory_space<vmem_shared>> -> memref<640x128xf32, #tpu.memory_space<vmem_shared>>
      %dma_wait3A_16 = arith.constant 0 : i32
      %dma_wait3A_17 = tpu.memref_slice %arg5[%arg0, %mul3A_2, %dma_wait3A_16] : memref<2x10240x128xf32, #tpu.memory_space<hbm>> -> memref<1x640x128xf32, #tpu.memory_space<hbm>>
      %dma_wait3A_18 = tpu.memref_squeeze %dma_wait3A_17 : memref<1x640x128xf32, #tpu.memory_space<hbm>> -> memref<640x128xf32, #tpu.memory_space<hbm>>
      tpu.wait_dma2 semaphore(%run_scoped3A : memref<!tpu.dma_semaphore, #tpu.memory_space<semaphore_mem>>) src(%dma_wait3A_18 : memref<640x128xf32, #tpu.memory_space<hbm>>) dst(%dma_wait3A_15 : memref<640x128xf32, #tpu.memory_space<vmem_shared>>)
      tpu.yield
    }) : () -> ()
    %barrier3A = arith.constant 0 : index
    tpu.barrier barrier_id(%barrier3A)
    %mul3A_3 = arith.constant 10240 : i32
    %mul3A_4 = arith.muli %add3A, %mul3A_3 : i32
    %scan3A = arith.constant 0 : i32
    %scan3A_5 = arith.constant 0 : i32
    %scan3A_6 = arith.constant 80 : i32
    %scan3A_7 = arith.addi %scan3A_5, %scan3A_6 : i32
    %scan3A_8 = arith.constant 1 : i32
    scf.for %scan3A_11 = %scan3A_5 to %scan3A_7 step %scan3A_8  : i32 {
      %mul3A_12 = arith.constant 128 : i32
      %mul3A_13 = arith.muli %scan3A_11, %mul3A_12 : i32
      %add3A_14 = arith.addi %mul3A_4, %mul3A_13 : i32
      "tpu.region"() ({
        %run_scoped3A = tpu.sem_alloc : memref<!tpu.dma_semaphore, #tpu.memory_space<semaphore_mem>>
        %dma_start3A_19 = tpu.memref_slice %arg3[%add3A_14] : memref<327680xi32, #tpu.memory_space<hbm>> -> memref<128xi32, #tpu.memory_space<hbm>>
        %dma_start3A_20 = tpu.memref_slice %arg3[%add3A_14] : memref<327680xi32, #tpu.memory_space<hbm>> -> memref<128xi32, #tpu.memory_space<hbm>>
        tpu.enqueue_dma source(%dma_start3A_20 : memref<128xi32, #tpu.memory_space<hbm>>) target(%arg7 : memref<128xi32, #tpu.memory_space<vmem>>) target_semaphore(%run_scoped3A : memref<!tpu.dma_semaphore, #tpu.memory_space<semaphore_mem>>)
        %dma_wait3A_21 = tpu.memref_slice %arg3[%add3A_14] : memref<327680xi32, #tpu.memory_space<hbm>> -> memref<128xi32, #tpu.memory_space<hbm>>
        %dma_wait3A_22 = tpu.memref_slice %arg3[%add3A_14] : memref<327680xi32, #tpu.memory_space<hbm>> -> memref<128xi32, #tpu.memory_space<hbm>>
        tpu.wait_dma2 semaphore(%run_scoped3A : memref<!tpu.dma_semaphore, #tpu.memory_space<semaphore_mem>>) src(%dma_wait3A_22 : memref<128xi32, #tpu.memory_space<hbm>>) dst(%arg7 : memref<128xi32, #tpu.memory_space<vmem>>)
        tpu.yield
      }) : () -> ()
      %dma_start3A = arith.constant 0 : i32
      %dma_start3A_15 = arith.constant 0 : i32
      %dma_start3A_16 = tpu.memref_slice %arg2[%dma_start3A, %dma_start3A_15] : memref<10240x128xf32, #tpu.memory_space<hbm>> -> memref<10240x128xf32, #tpu.memory_space<hbm>>
      tpu.enqueue_indirect_dma source(%dma_start3A_16 : memref<10240x128xf32, #tpu.memory_space<hbm>>) target(%arg9 : memref<128x128xf32, #tpu.memory_space<vmem>>) offsets(%arg7 : memref<128xi32, #tpu.memory_space<vmem>>) semaphore(%arg11 : memref<!tpu.dma_semaphore, #tpu.memory_space<semaphore_mem>>)
      %dma_wait3A = arith.constant 0 : i32
      %dma_wait3A_17 = arith.constant 0 : i32
      %dma_wait3A_18 = tpu.memref_slice %arg2[%dma_wait3A, %dma_wait3A_17] : memref<10240x128xf32, #tpu.memory_space<hbm>> -> memref<10240x128xf32, #tpu.memory_space<hbm>>
      tpu.wait_indirect_dma semaphore(%arg11 : memref<!tpu.dma_semaphore, #tpu.memory_space<semaphore_mem>>) src(%dma_wait3A_18 : memref<10240x128xf32, #tpu.memory_space<hbm>>) dst(%arg9 : memref<128x128xf32, #tpu.memory_space<vmem>>)
      "tpu.region"() ({
        %run_scoped3A = tpu.sem_alloc : memref<!tpu.dma_semaphore, #tpu.memory_space<semaphore_mem>>
        %dma_start3A_19 = tpu.memref_slice %arg4[%add3A_14] : memref<327680xi32, #tpu.memory_space<hbm>> -> memref<128xi32, #tpu.memory_space<hbm>>
        %dma_start3A_20 = tpu.memref_slice %arg4[%add3A_14] : memref<327680xi32, #tpu.memory_space<hbm>> -> memref<128xi32, #tpu.memory_space<hbm>>
        tpu.enqueue_dma source(%dma_start3A_20 : memref<128xi32, #tpu.memory_space<hbm>>) target(%arg8 : memref<128xi32, #tpu.memory_space<vmem>>) target_semaphore(%run_scoped3A : memref<!tpu.dma_semaphore, #tpu.memory_space<semaphore_mem>>)
        %dma_wait3A_21 = tpu.memref_slice %arg4[%add3A_14] : memref<327680xi32, #tpu.memory_space<hbm>> -> memref<128xi32, #tpu.memory_space<hbm>>
        %dma_wait3A_22 = tpu.memref_slice %arg4[%add3A_14] : memref<327680xi32, #tpu.memory_space<hbm>> -> memref<128xi32, #tpu.memory_space<hbm>>
        tpu.wait_dma2 semaphore(%run_scoped3A : memref<!tpu.dma_semaphore, #tpu.memory_space<semaphore_mem>>) src(%dma_wait3A_22 : memref<128xi32, #tpu.memory_space<hbm>>) dst(%arg8 : memref<128xi32, #tpu.memory_space<vmem>>)
        tpu.yield
      }) : () -> ()
      "tpu.region"() ({
        %run_scoped3A = tpu.sem_alloc : memref<!tpu.dma_semaphore, #tpu.memory_space<semaphore_mem>>
        %dma_start3A_19 = arith.constant 0 : i32
        %dma_start3A_20 = arith.constant 0 : i32
        %dma_start3A_21 = tpu.memref_slice %arg10[%dma_start3A_19, %dma_start3A_20] : memref<10240x128xf32, #tpu.memory_space<vmem_shared>> -> memref<10240x128xf32, #tpu.memory_space<vmem_shared>>
        tpu.enqueue_indirect_dma source(%arg9 : memref<128x128xf32, #tpu.memory_space<vmem>>) target(%dma_start3A_21 : memref<10240x128xf32, #tpu.memory_space<vmem_shared>>) offsets(%arg8 : memref<128xi32, #tpu.memory_space<vmem>>) semaphore(%run_scoped3A : memref<!tpu.dma_semaphore, #tpu.memory_space<semaphore_mem>>) {add = true}
        %dma_wait3A_22 = arith.constant 0 : i32
        %dma_wait3A_23 = arith.constant 0 : i32
        %dma_wait3A_24 = tpu.memref_slice %arg10[%dma_wait3A_22, %dma_wait3A_23] : memref<10240x128xf32, #tpu.memory_space<vmem_shared>> -> memref<10240x128xf32, #tpu.memory_space<vmem_shared>>
        tpu.wait_indirect_dma semaphore(%run_scoped3A : memref<!tpu.dma_semaphore, #tpu.memory_space<semaphore_mem>>) src(%arg9 : memref<128x128xf32, #tpu.memory_space<vmem>>) dst(%dma_wait3A_24 : memref<10240x128xf32, #tpu.memory_space<vmem_shared>>)
        tpu.yield
      }) : () -> ()
    }
    %scan3A_9 = arith.constant 80 : i32
    %barrier3A_10 = arith.constant 0 : index
    tpu.barrier barrier_id(%barrier3A_10)
    "tpu.region"() ({
      %run_scoped3A = tpu.sem_alloc : memref<!tpu.dma_semaphore, #tpu.memory_space<semaphore_mem>>
      %dma_start3A = arith.constant 0 : i32
      %dma_start3A_11 = tpu.memref_slice %arg6[%arg0, %mul3A_2, %dma_start3A] : memref<2x10240x128xf32, #tpu.memory_space<hbm>> -> memref<1x640x128xf32, #tpu.memory_space<hbm>>
      %dma_start3A_12 = tpu.memref_squeeze %dma_start3A_11 : memref<1x640x128xf32, #tpu.memory_space<hbm>> -> memref<640x128xf32, #tpu.memory_space<hbm>>
      %dma_start3A_13 = arith.constant 0 : i32
      %dma_start3A_14 = tpu.memref_slice %arg10[%mul3A_2, %dma_start3A_13] : memref<10240x128xf32, #tpu.memory_space<vmem_shared>> -> memref<640x128xf32, #tpu.memory_space<vmem_shared>>
      tpu.enqueue_dma source(%dma_start3A_14 : memref<640x128xf32, #tpu.memory_space<vmem_shared>>) target(%dma_start3A_12 : memref<640x128xf32, #tpu.memory_space<hbm>>) target_semaphore(%run_scoped3A : memref<!tpu.dma_semaphore, #tpu.memory_space<semaphore_mem>>)
      %dma_wait3A = arith.constant 0 : i32
      %dma_wait3A_15 = tpu.memref_slice %arg6[%arg0, %mul3A_2, %dma_wait3A] : memref<2x10240x128xf32, #tpu.memory_space<hbm>> -> memref<1x640x128xf32, #tpu.memory_space<hbm>>
      %dma_wait3A_16 = tpu.memref_squeeze %dma_wait3A_15 : memref<1x640x128xf32, #tpu.memory_space<hbm>> -> memref<640x128xf32, #tpu.memory_space<hbm>>
      %dma_wait3A_17 = arith.constant 0 : i32
      %dma_wait3A_18 = tpu.memref_slice %arg10[%mul3A_2, %dma_wait3A_17] : memref<10240x128xf32, #tpu.memory_space<vmem_shared>> -> memref<640x128xf32, #tpu.memory_space<vmem_shared>>
      tpu.wait_dma2 semaphore(%run_scoped3A : memref<!tpu.dma_semaphore, #tpu.memory_space<semaphore_mem>>) src(%dma_wait3A_18 : memref<640x128xf32, #tpu.memory_space<vmem_shared>>) dst(%dma_wait3A_16 : memref<640x128xf32, #tpu.memory_space<hbm>>)
      tpu.yield
    }) : () -> ()
    return
  }
}

#map = affine_map<(d0, d1) -> (0, 0)>
#map1 = affine_map<(d0, d1) -> (0)>
#map2 = affine_map<(d0, d1) -> (0, 0, 0)>
module attributes {stable_mosaic.version = 14 : i64} {
  func.func @_sc_pool_body(%arg0: i32, %arg1: i32, %arg2: memref<10240x128xf32, #tpu.memory_space<hbm>>, %arg3: memref<327680xi32, #tpu.memory_space<hbm>>, %arg4: memref<327680xi32, #tpu.memory_space<hbm>>, %arg5: memref<327680xi32, #tpu.memory_space<hbm>>, %arg6: memref<80x128xf32, #tpu.memory_space<hbm>>, %arg7: memref<512x128xf32, #tpu.memory_space<hbm>>, %arg8: memref<512x128xf32, #tpu.memory_space<hbm>>, %arg9: memref<10240x128xf32, #tpu.memory_space<hbm>>, %arg10: memref<2x512x128xf32, #tpu.memory_space<hbm>>, %arg11: memref<2x512x128xf32, #tpu.memory_space<hbm>>, %arg12: memref<2x10240x128xf32, #tpu.memory_space<hbm>>, %arg13: memref<80xi32, #tpu.memory_space<vmem>>, %arg14: memref<80xi32, #tpu.memory_space<vmem>>, %arg15: memref<80xi32, #tpu.memory_space<vmem>>, %arg16: memref<80x128xf32, #tpu.memory_space<vmem>>, %arg17: memref<80x128xf32, #tpu.memory_space<vmem>>, %arg18: memref<512x128xf32, #tpu.memory_space<vmem_shared>>, %arg19: memref<512x128xf32, #tpu.memory_space<vmem_shared>>, %arg20: memref<10240x128xf32, #tpu.memory_space<vmem_shared>>, %arg21: memref<!tpu.dma_semaphore, #tpu.memory_space<semaphore_mem>>) attributes {dimension_semantics = [#tpu.dimension_semantics<core_parallel>, #tpu.dimension_semantics<subcore_parallel>], iteration_bounds = array<i64: 2, 16>, scalar_prefetch = 0 : i64, scratch_operands = 9 : i64, tpu.core_type = #tpu.core_type<sc_vector_subcore>, window_params = [{transform_indices = #map}, {transform_indices = #map1}, {transform_indices = #map1}, {transform_indices = #map1}, {transform_indices = #map}, {transform_indices = #map}, {transform_indices = #map}, {transform_indices = #map}, {transform_indices = #map2}, {transform_indices = #map2}, {transform_indices = #map2}]} {
    %mul3A = arith.constant 16 : i32
    %mul3A_0 = arith.muli %arg0, %mul3A : i32
    %add3A = arith.addi %mul3A_0, %arg1 : i32
    %mul3A_1 = arith.constant 32 : i32
    %mul3A_2 = arith.muli %arg1, %mul3A_1 : i32
    %mul3A_3 = arith.constant 640 : i32
    %mul3A_4 = arith.muli %arg1, %mul3A_3 : i32
    "tpu.region"() ({
      %run_scoped3A = tpu.sem_alloc : memref<!tpu.dma_semaphore, #tpu.memory_space<semaphore_mem>>
      %dma_start3A = arith.constant 0 : i32
      %dma_start3A_13 = tpu.memref_slice %arg18[%mul3A_2, %dma_start3A] : memref<512x128xf32, #tpu.memory_space<vmem_shared>> -> memref<32x128xf32, #tpu.memory_space<vmem_shared>>
      %dma_start3A_14 = arith.constant 0 : i32
      %dma_start3A_15 = tpu.memref_slice %arg7[%mul3A_2, %dma_start3A_14] : memref<512x128xf32, #tpu.memory_space<hbm>> -> memref<32x128xf32, #tpu.memory_space<hbm>>
      tpu.enqueue_dma source(%dma_start3A_15 : memref<32x128xf32, #tpu.memory_space<hbm>>) target(%dma_start3A_13 : memref<32x128xf32, #tpu.memory_space<vmem_shared>>) target_semaphore(%run_scoped3A : memref<!tpu.dma_semaphore, #tpu.memory_space<semaphore_mem>>)
      %dma_wait3A = arith.constant 0 : i32
      %dma_wait3A_16 = tpu.memref_slice %arg18[%mul3A_2, %dma_wait3A] : memref<512x128xf32, #tpu.memory_space<vmem_shared>> -> memref<32x128xf32, #tpu.memory_space<vmem_shared>>
      %dma_wait3A_17 = arith.constant 0 : i32
      %dma_wait3A_18 = tpu.memref_slice %arg7[%mul3A_2, %dma_wait3A_17] : memref<512x128xf32, #tpu.memory_space<hbm>> -> memref<32x128xf32, #tpu.memory_space<hbm>>
      tpu.wait_dma2 semaphore(%run_scoped3A : memref<!tpu.dma_semaphore, #tpu.memory_space<semaphore_mem>>) src(%dma_wait3A_18 : memref<32x128xf32, #tpu.memory_space<hbm>>) dst(%dma_wait3A_16 : memref<32x128xf32, #tpu.memory_space<vmem_shared>>)
      tpu.yield
    }) : () -> ()
    "tpu.region"() ({
      %run_scoped3A = tpu.sem_alloc : memref<!tpu.dma_semaphore, #tpu.memory_space<semaphore_mem>>
      %dma_start3A = arith.constant 0 : i32
      %dma_start3A_13 = tpu.memref_slice %arg19[%mul3A_2, %dma_start3A] : memref<512x128xf32, #tpu.memory_space<vmem_shared>> -> memref<32x128xf32, #tpu.memory_space<vmem_shared>>
      %dma_start3A_14 = arith.constant 0 : i32
      %dma_start3A_15 = tpu.memref_slice %arg8[%mul3A_2, %dma_start3A_14] : memref<512x128xf32, #tpu.memory_space<hbm>> -> memref<32x128xf32, #tpu.memory_space<hbm>>
      tpu.enqueue_dma source(%dma_start3A_15 : memref<32x128xf32, #tpu.memory_space<hbm>>) target(%dma_start3A_13 : memref<32x128xf32, #tpu.memory_space<vmem_shared>>) target_semaphore(%run_scoped3A : memref<!tpu.dma_semaphore, #tpu.memory_space<semaphore_mem>>)
      %dma_wait3A = arith.constant 0 : i32
      %dma_wait3A_16 = tpu.memref_slice %arg19[%mul3A_2, %dma_wait3A] : memref<512x128xf32, #tpu.memory_space<vmem_shared>> -> memref<32x128xf32, #tpu.memory_space<vmem_shared>>
      %dma_wait3A_17 = arith.constant 0 : i32
      %dma_wait3A_18 = tpu.memref_slice %arg8[%mul3A_2, %dma_wait3A_17] : memref<512x128xf32, #tpu.memory_space<hbm>> -> memref<32x128xf32, #tpu.memory_space<hbm>>
      tpu.wait_dma2 semaphore(%run_scoped3A : memref<!tpu.dma_semaphore, #tpu.memory_space<semaphore_mem>>) src(%dma_wait3A_18 : memref<32x128xf32, #tpu.memory_space<hbm>>) dst(%dma_wait3A_16 : memref<32x128xf32, #tpu.memory_space<vmem_shared>>)
      tpu.yield
    }) : () -> ()
    "tpu.region"() ({
      %run_scoped3A = tpu.sem_alloc : memref<!tpu.dma_semaphore, #tpu.memory_space<semaphore_mem>>
      %dma_start3A = arith.constant 0 : i32
      %dma_start3A_13 = tpu.memref_slice %arg20[%mul3A_4, %dma_start3A] : memref<10240x128xf32, #tpu.memory_space<vmem_shared>> -> memref<640x128xf32, #tpu.memory_space<vmem_shared>>
      %dma_start3A_14 = arith.constant 0 : i32
      %dma_start3A_15 = tpu.memref_slice %arg9[%mul3A_4, %dma_start3A_14] : memref<10240x128xf32, #tpu.memory_space<hbm>> -> memref<640x128xf32, #tpu.memory_space<hbm>>
      tpu.enqueue_dma source(%dma_start3A_15 : memref<640x128xf32, #tpu.memory_space<hbm>>) target(%dma_start3A_13 : memref<640x128xf32, #tpu.memory_space<vmem_shared>>) target_semaphore(%run_scoped3A : memref<!tpu.dma_semaphore, #tpu.memory_space<semaphore_mem>>)
      %dma_wait3A = arith.constant 0 : i32
      %dma_wait3A_16 = tpu.memref_slice %arg20[%mul3A_4, %dma_wait3A] : memref<10240x128xf32, #tpu.memory_space<vmem_shared>> -> memref<640x128xf32, #tpu.memory_space<vmem_shared>>
      %dma_wait3A_17 = arith.constant 0 : i32
      %dma_wait3A_18 = tpu.memref_slice %arg9[%mul3A_4, %dma_wait3A_17] : memref<10240x128xf32, #tpu.memory_space<hbm>> -> memref<640x128xf32, #tpu.memory_space<hbm>>
      tpu.wait_dma2 semaphore(%run_scoped3A : memref<!tpu.dma_semaphore, #tpu.memory_space<semaphore_mem>>) src(%dma_wait3A_18 : memref<640x128xf32, #tpu.memory_space<hbm>>) dst(%dma_wait3A_16 : memref<640x128xf32, #tpu.memory_space<vmem_shared>>)
      tpu.yield
    }) : () -> ()
    "tpu.region"() ({
      %run_scoped3A = tpu.sem_alloc : memref<!tpu.dma_semaphore, #tpu.memory_space<semaphore_mem>>
      tpu.enqueue_dma source(%arg6 : memref<80x128xf32, #tpu.memory_space<hbm>>) target(%arg17 : memref<80x128xf32, #tpu.memory_space<vmem>>) target_semaphore(%run_scoped3A : memref<!tpu.dma_semaphore, #tpu.memory_space<semaphore_mem>>)
      tpu.wait_dma2 semaphore(%run_scoped3A : memref<!tpu.dma_semaphore, #tpu.memory_space<semaphore_mem>>) src(%arg6 : memref<80x128xf32, #tpu.memory_space<hbm>>) dst(%arg17 : memref<80x128xf32, #tpu.memory_space<vmem>>)
      tpu.yield
    }) : () -> ()
    %barrier3A = arith.constant 0 : index
    tpu.barrier barrier_id(%barrier3A)
    %mul3A_5 = arith.constant 10240 : i32
    %mul3A_6 = arith.muli %add3A, %mul3A_5 : i32
    %scan3A = arith.constant 0 : i32
    %scan3A_7 = arith.constant 0 : i32
    %scan3A_8 = arith.constant 128 : i32
    %scan3A_9 = arith.addi %scan3A_7, %scan3A_8 : i32
    %scan3A_10 = arith.constant 1 : i32
    scf.for %scan3A_13 = %scan3A_7 to %scan3A_9 step %scan3A_10  : i32 {
      %mul3A_14 = arith.constant 80 : i32
      %mul3A_15 = arith.muli %scan3A_13, %mul3A_14 : i32
      %add3A_16 = arith.addi %mul3A_6, %mul3A_15 : i32
      "tpu.region"() ({
        %run_scoped3A = tpu.sem_alloc : memref<!tpu.dma_semaphore, #tpu.memory_space<semaphore_mem>>
        %dma_start3A_21 = tpu.memref_slice %arg3[%add3A_16] : memref<327680xi32, #tpu.memory_space<hbm>> -> memref<80xi32, #tpu.memory_space<hbm>>
        %dma_start3A_22 = tpu.memref_slice %arg3[%add3A_16] : memref<327680xi32, #tpu.memory_space<hbm>> -> memref<80xi32, #tpu.memory_space<hbm>>
        tpu.enqueue_dma source(%dma_start3A_22 : memref<80xi32, #tpu.memory_space<hbm>>) target(%arg13 : memref<80xi32, #tpu.memory_space<vmem>>) target_semaphore(%run_scoped3A : memref<!tpu.dma_semaphore, #tpu.memory_space<semaphore_mem>>)
        %dma_wait3A_23 = tpu.memref_slice %arg3[%add3A_16] : memref<327680xi32, #tpu.memory_space<hbm>> -> memref<80xi32, #tpu.memory_space<hbm>>
        %dma_wait3A_24 = tpu.memref_slice %arg3[%add3A_16] : memref<327680xi32, #tpu.memory_space<hbm>> -> memref<80xi32, #tpu.memory_space<hbm>>
        tpu.wait_dma2 semaphore(%run_scoped3A : memref<!tpu.dma_semaphore, #tpu.memory_space<semaphore_mem>>) src(%dma_wait3A_24 : memref<80xi32, #tpu.memory_space<hbm>>) dst(%arg13 : memref<80xi32, #tpu.memory_space<vmem>>)
        tpu.yield
      }) : () -> ()
      %dma_start3A = arith.constant 0 : i32
      %dma_start3A_17 = arith.constant 0 : i32
      %dma_start3A_18 = tpu.memref_slice %arg2[%dma_start3A, %dma_start3A_17] : memref<10240x128xf32, #tpu.memory_space<hbm>> -> memref<10240x128xf32, #tpu.memory_space<hbm>>
      tpu.enqueue_indirect_dma source(%dma_start3A_18 : memref<10240x128xf32, #tpu.memory_space<hbm>>) target(%arg16 : memref<80x128xf32, #tpu.memory_space<vmem>>) offsets(%arg13 : memref<80xi32, #tpu.memory_space<vmem>>) semaphore(%arg21 : memref<!tpu.dma_semaphore, #tpu.memory_space<semaphore_mem>>)
      %dma_wait3A = arith.constant 0 : i32
      %dma_wait3A_19 = arith.constant 0 : i32
      %dma_wait3A_20 = tpu.memref_slice %arg2[%dma_wait3A, %dma_wait3A_19] : memref<10240x128xf32, #tpu.memory_space<hbm>> -> memref<10240x128xf32, #tpu.memory_space<hbm>>
      tpu.wait_indirect_dma semaphore(%arg21 : memref<!tpu.dma_semaphore, #tpu.memory_space<semaphore_mem>>) src(%dma_wait3A_20 : memref<10240x128xf32, #tpu.memory_space<hbm>>) dst(%arg16 : memref<80x128xf32, #tpu.memory_space<vmem>>)
      "tpu.region"() ({
        %run_scoped3A = tpu.sem_alloc : memref<!tpu.dma_semaphore, #tpu.memory_space<semaphore_mem>>
        %dma_start3A_21 = tpu.memref_slice %arg4[%add3A_16] : memref<327680xi32, #tpu.memory_space<hbm>> -> memref<80xi32, #tpu.memory_space<hbm>>
        %dma_start3A_22 = tpu.memref_slice %arg4[%add3A_16] : memref<327680xi32, #tpu.memory_space<hbm>> -> memref<80xi32, #tpu.memory_space<hbm>>
        tpu.enqueue_dma source(%dma_start3A_22 : memref<80xi32, #tpu.memory_space<hbm>>) target(%arg14 : memref<80xi32, #tpu.memory_space<vmem>>) target_semaphore(%run_scoped3A : memref<!tpu.dma_semaphore, #tpu.memory_space<semaphore_mem>>)
        %dma_wait3A_23 = tpu.memref_slice %arg4[%add3A_16] : memref<327680xi32, #tpu.memory_space<hbm>> -> memref<80xi32, #tpu.memory_space<hbm>>
        %dma_wait3A_24 = tpu.memref_slice %arg4[%add3A_16] : memref<327680xi32, #tpu.memory_space<hbm>> -> memref<80xi32, #tpu.memory_space<hbm>>
        tpu.wait_dma2 semaphore(%run_scoped3A : memref<!tpu.dma_semaphore, #tpu.memory_space<semaphore_mem>>) src(%dma_wait3A_24 : memref<80xi32, #tpu.memory_space<hbm>>) dst(%arg14 : memref<80xi32, #tpu.memory_space<vmem>>)
        tpu.yield
      }) : () -> ()
      "tpu.region"() ({
        %run_scoped3A = tpu.sem_alloc : memref<!tpu.dma_semaphore, #tpu.memory_space<semaphore_mem>>
        %dma_start3A_21 = tpu.memref_slice %arg5[%add3A_16] : memref<327680xi32, #tpu.memory_space<hbm>> -> memref<80xi32, #tpu.memory_space<hbm>>
        %dma_start3A_22 = tpu.memref_slice %arg5[%add3A_16] : memref<327680xi32, #tpu.memory_space<hbm>> -> memref<80xi32, #tpu.memory_space<hbm>>
        tpu.enqueue_dma source(%dma_start3A_22 : memref<80xi32, #tpu.memory_space<hbm>>) target(%arg15 : memref<80xi32, #tpu.memory_space<vmem>>) target_semaphore(%run_scoped3A : memref<!tpu.dma_semaphore, #tpu.memory_space<semaphore_mem>>)
        %dma_wait3A_23 = tpu.memref_slice %arg5[%add3A_16] : memref<327680xi32, #tpu.memory_space<hbm>> -> memref<80xi32, #tpu.memory_space<hbm>>
        %dma_wait3A_24 = tpu.memref_slice %arg5[%add3A_16] : memref<327680xi32, #tpu.memory_space<hbm>> -> memref<80xi32, #tpu.memory_space<hbm>>
        tpu.wait_dma2 semaphore(%run_scoped3A : memref<!tpu.dma_semaphore, #tpu.memory_space<semaphore_mem>>) src(%dma_wait3A_24 : memref<80xi32, #tpu.memory_space<hbm>>) dst(%arg15 : memref<80xi32, #tpu.memory_space<vmem>>)
        tpu.yield
      }) : () -> ()
      "tpu.region"() ({
        %run_scoped3A = tpu.sem_alloc : memref<!tpu.dma_semaphore, #tpu.memory_space<semaphore_mem>>
        %dma_start3A_21 = arith.constant 0 : i32
        %dma_start3A_22 = arith.constant 0 : i32
        %dma_start3A_23 = tpu.memref_slice %arg18[%dma_start3A_21, %dma_start3A_22] : memref<512x128xf32, #tpu.memory_space<vmem_shared>> -> memref<512x128xf32, #tpu.memory_space<vmem_shared>>
        tpu.enqueue_indirect_dma source(%arg16 : memref<80x128xf32, #tpu.memory_space<vmem>>) target(%dma_start3A_23 : memref<512x128xf32, #tpu.memory_space<vmem_shared>>) offsets(%arg14 : memref<80xi32, #tpu.memory_space<vmem>>) semaphore(%run_scoped3A : memref<!tpu.dma_semaphore, #tpu.memory_space<semaphore_mem>>) {add = true}
        %dma_wait3A_24 = arith.constant 0 : i32
        %dma_wait3A_25 = arith.constant 0 : i32
        %dma_wait3A_26 = tpu.memref_slice %arg18[%dma_wait3A_24, %dma_wait3A_25] : memref<512x128xf32, #tpu.memory_space<vmem_shared>> -> memref<512x128xf32, #tpu.memory_space<vmem_shared>>
        tpu.wait_indirect_dma semaphore(%run_scoped3A : memref<!tpu.dma_semaphore, #tpu.memory_space<semaphore_mem>>) src(%arg16 : memref<80x128xf32, #tpu.memory_space<vmem>>) dst(%dma_wait3A_26 : memref<512x128xf32, #tpu.memory_space<vmem_shared>>)
        tpu.yield
      }) : () -> ()
      "tpu.region"() ({
        %run_scoped3A = tpu.sem_alloc : memref<!tpu.dma_semaphore, #tpu.memory_space<semaphore_mem>>
        %dma_start3A_21 = arith.constant 0 : i32
        %dma_start3A_22 = arith.constant 0 : i32
        %dma_start3A_23 = tpu.memref_slice %arg19[%dma_start3A_21, %dma_start3A_22] : memref<512x128xf32, #tpu.memory_space<vmem_shared>> -> memref<512x128xf32, #tpu.memory_space<vmem_shared>>
        tpu.enqueue_indirect_dma source(%arg17 : memref<80x128xf32, #tpu.memory_space<vmem>>) target(%dma_start3A_23 : memref<512x128xf32, #tpu.memory_space<vmem_shared>>) offsets(%arg14 : memref<80xi32, #tpu.memory_space<vmem>>) semaphore(%run_scoped3A : memref<!tpu.dma_semaphore, #tpu.memory_space<semaphore_mem>>) {add = true}
        %dma_wait3A_24 = arith.constant 0 : i32
        %dma_wait3A_25 = arith.constant 0 : i32
        %dma_wait3A_26 = tpu.memref_slice %arg19[%dma_wait3A_24, %dma_wait3A_25] : memref<512x128xf32, #tpu.memory_space<vmem_shared>> -> memref<512x128xf32, #tpu.memory_space<vmem_shared>>
        tpu.wait_indirect_dma semaphore(%run_scoped3A : memref<!tpu.dma_semaphore, #tpu.memory_space<semaphore_mem>>) src(%arg17 : memref<80x128xf32, #tpu.memory_space<vmem>>) dst(%dma_wait3A_26 : memref<512x128xf32, #tpu.memory_space<vmem_shared>>)
        tpu.yield
      }) : () -> ()
      "tpu.region"() ({
        %run_scoped3A = tpu.sem_alloc : memref<!tpu.dma_semaphore, #tpu.memory_space<semaphore_mem>>
        %dma_start3A_21 = arith.constant 0 : i32
        %dma_start3A_22 = arith.constant 0 : i32
        %dma_start3A_23 = tpu.memref_slice %arg20[%dma_start3A_21, %dma_start3A_22] : memref<10240x128xf32, #tpu.memory_space<vmem_shared>> -> memref<10240x128xf32, #tpu.memory_space<vmem_shared>>
        tpu.enqueue_indirect_dma source(%arg17 : memref<80x128xf32, #tpu.memory_space<vmem>>) target(%dma_start3A_23 : memref<10240x128xf32, #tpu.memory_space<vmem_shared>>) offsets(%arg15 : memref<80xi32, #tpu.memory_space<vmem>>) semaphore(%run_scoped3A : memref<!tpu.dma_semaphore, #tpu.memory_space<semaphore_mem>>) {add = true}
        %dma_wait3A_24 = arith.constant 0 : i32
        %dma_wait3A_25 = arith.constant 0 : i32
        %dma_wait3A_26 = tpu.memref_slice %arg20[%dma_wait3A_24, %dma_wait3A_25] : memref<10240x128xf32, #tpu.memory_space<vmem_shared>> -> memref<10240x128xf32, #tpu.memory_space<vmem_shared>>
        tpu.wait_indirect_dma semaphore(%run_scoped3A : memref<!tpu.dma_semaphore, #tpu.memory_space<semaphore_mem>>) src(%arg17 : memref<80x128xf32, #tpu.memory_space<vmem>>) dst(%dma_wait3A_26 : memref<10240x128xf32, #tpu.memory_space<vmem_shared>>)
        tpu.yield
      }) : () -> ()
    }
    %scan3A_11 = arith.constant 128 : i32
    %barrier3A_12 = arith.constant 0 : index
    tpu.barrier barrier_id(%barrier3A_12)
    "tpu.region"() ({
      %run_scoped3A = tpu.sem_alloc : memref<!tpu.dma_semaphore, #tpu.memory_space<semaphore_mem>>
      %dma_start3A = arith.constant 0 : i32
      %dma_start3A_13 = tpu.memref_slice %arg10[%arg0, %mul3A_2, %dma_start3A] : memref<2x512x128xf32, #tpu.memory_space<hbm>> -> memref<1x32x128xf32, #tpu.memory_space<hbm>>
      %dma_start3A_14 = tpu.memref_squeeze %dma_start3A_13 : memref<1x32x128xf32, #tpu.memory_space<hbm>> -> memref<32x128xf32, #tpu.memory_space<hbm>>
      %dma_start3A_15 = arith.constant 0 : i32
      %dma_start3A_16 = tpu.memref_slice %arg18[%mul3A_2, %dma_start3A_15] : memref<512x128xf32, #tpu.memory_space<vmem_shared>> -> memref<32x128xf32, #tpu.memory_space<vmem_shared>>
      tpu.enqueue_dma source(%dma_start3A_16 : memref<32x128xf32, #tpu.memory_space<vmem_shared>>) target(%dma_start3A_14 : memref<32x128xf32, #tpu.memory_space<hbm>>) target_semaphore(%run_scoped3A : memref<!tpu.dma_semaphore, #tpu.memory_space<semaphore_mem>>)
      %dma_wait3A = arith.constant 0 : i32
      %dma_wait3A_17 = tpu.memref_slice %arg10[%arg0, %mul3A_2, %dma_wait3A] : memref<2x512x128xf32, #tpu.memory_space<hbm>> -> memref<1x32x128xf32, #tpu.memory_space<hbm>>
      %dma_wait3A_18 = tpu.memref_squeeze %dma_wait3A_17 : memref<1x32x128xf32, #tpu.memory_space<hbm>> -> memref<32x128xf32, #tpu.memory_space<hbm>>
      %dma_wait3A_19 = arith.constant 0 : i32
      %dma_wait3A_20 = tpu.memref_slice %arg18[%mul3A_2, %dma_wait3A_19] : memref<512x128xf32, #tpu.memory_space<vmem_shared>> -> memref<32x128xf32, #tpu.memory_space<vmem_shared>>
      tpu.wait_dma2 semaphore(%run_scoped3A : memref<!tpu.dma_semaphore, #tpu.memory_space<semaphore_mem>>) src(%dma_wait3A_20 : memref<32x128xf32, #tpu.memory_space<vmem_shared>>) dst(%dma_wait3A_18 : memref<32x128xf32, #tpu.memory_space<hbm>>)
      tpu.yield
    }) : () -> ()
    "tpu.region"() ({
      %run_scoped3A = tpu.sem_alloc : memref<!tpu.dma_semaphore, #tpu.memory_space<semaphore_mem>>
      %dma_start3A = arith.constant 0 : i32
      %dma_start3A_13 = tpu.memref_slice %arg11[%arg0, %mul3A_2, %dma_start3A] : memref<2x512x128xf32, #tpu.memory_space<hbm>> -> memref<1x32x128xf32, #tpu.memory_space<hbm>>
      %dma_start3A_14 = tpu.memref_squeeze %dma_start3A_13 : memref<1x32x128xf32, #tpu.memory_space<hbm>> -> memref<32x128xf32, #tpu.memory_space<hbm>>
      %dma_start3A_15 = arith.constant 0 : i32
      %dma_start3A_16 = tpu.memref_slice %arg19[%mul3A_2, %dma_start3A_15] : memref<512x128xf32, #tpu.memory_space<vmem_shared>> -> memref<32x128xf32, #tpu.memory_space<vmem_shared>>
      tpu.enqueue_dma source(%dma_start3A_16 : memref<32x128xf32, #tpu.memory_space<vmem_shared>>) target(%dma_start3A_14 : memref<32x128xf32, #tpu.memory_space<hbm>>) target_semaphore(%run_scoped3A : memref<!tpu.dma_semaphore, #tpu.memory_space<semaphore_mem>>)
      %dma_wait3A = arith.constant 0 : i32
      %dma_wait3A_17 = tpu.memref_slice %arg11[%arg0, %mul3A_2, %dma_wait3A] : memref<2x512x128xf32, #tpu.memory_space<hbm>> -> memref<1x32x128xf32, #tpu.memory_space<hbm>>
      %dma_wait3A_18 = tpu.memref_squeeze %dma_wait3A_17 : memref<1x32x128xf32, #tpu.memory_space<hbm>> -> memref<32x128xf32, #tpu.memory_space<hbm>>
      %dma_wait3A_19 = arith.constant 0 : i32
      %dma_wait3A_20 = tpu.memref_slice %arg19[%mul3A_2, %dma_wait3A_19] : memref<512x128xf32, #tpu.memory_space<vmem_shared>> -> memref<32x128xf32, #tpu.memory_space<vmem_shared>>
      tpu.wait_dma2 semaphore(%run_scoped3A : memref<!tpu.dma_semaphore, #tpu.memory_space<semaphore_mem>>) src(%dma_wait3A_20 : memref<32x128xf32, #tpu.memory_space<vmem_shared>>) dst(%dma_wait3A_18 : memref<32x128xf32, #tpu.memory_space<hbm>>)
      tpu.yield
    }) : () -> ()
    "tpu.region"() ({
      %run_scoped3A = tpu.sem_alloc : memref<!tpu.dma_semaphore, #tpu.memory_space<semaphore_mem>>
      %dma_start3A = arith.constant 0 : i32
      %dma_start3A_13 = tpu.memref_slice %arg12[%arg0, %mul3A_4, %dma_start3A] : memref<2x10240x128xf32, #tpu.memory_space<hbm>> -> memref<1x640x128xf32, #tpu.memory_space<hbm>>
      %dma_start3A_14 = tpu.memref_squeeze %dma_start3A_13 : memref<1x640x128xf32, #tpu.memory_space<hbm>> -> memref<640x128xf32, #tpu.memory_space<hbm>>
      %dma_start3A_15 = arith.constant 0 : i32
      %dma_start3A_16 = tpu.memref_slice %arg20[%mul3A_4, %dma_start3A_15] : memref<10240x128xf32, #tpu.memory_space<vmem_shared>> -> memref<640x128xf32, #tpu.memory_space<vmem_shared>>
      tpu.enqueue_dma source(%dma_start3A_16 : memref<640x128xf32, #tpu.memory_space<vmem_shared>>) target(%dma_start3A_14 : memref<640x128xf32, #tpu.memory_space<hbm>>) target_semaphore(%run_scoped3A : memref<!tpu.dma_semaphore, #tpu.memory_space<semaphore_mem>>)
      %dma_wait3A = arith.constant 0 : i32
      %dma_wait3A_17 = tpu.memref_slice %arg12[%arg0, %mul3A_4, %dma_wait3A] : memref<2x10240x128xf32, #tpu.memory_space<hbm>> -> memref<1x640x128xf32, #tpu.memory_space<hbm>>
      %dma_wait3A_18 = tpu.memref_squeeze %dma_wait3A_17 : memref<1x640x128xf32, #tpu.memory_space<hbm>> -> memref<640x128xf32, #tpu.memory_space<hbm>>
      %dma_wait3A_19 = arith.constant 0 : i32
      %dma_wait3A_20 = tpu.memref_slice %arg20[%mul3A_4, %dma_wait3A_19] : memref<10240x128xf32, #tpu.memory_space<vmem_shared>> -> memref<640x128xf32, #tpu.memory_space<vmem_shared>>
      tpu.wait_dma2 semaphore(%run_scoped3A : memref<!tpu.dma_semaphore, #tpu.memory_space<semaphore_mem>>) src(%dma_wait3A_20 : memref<640x128xf32, #tpu.memory_space<vmem_shared>>) dst(%dma_wait3A_18 : memref<640x128xf32, #tpu.memory_space<hbm>>)
      tpu.yield
    }) : () -> ()
    return
  }
}

module attributes {stable_mosaic.version = 14 : i64} {
  func.func @_l2_body(%arg0: i32, %arg1: memref<1280x128xf32, #tpu.memory_space<vmem>>, %arg2: memref<1280x128xf32, #tpu.memory_space<vmem>>) attributes {dimension_semantics = [#tpu.dimension_semantics<arbitrary>], iteration_bounds = array<i64: 8>, scalar_prefetch = 0 : i64, scratch_operands = 0 : i64, tpu.core_type = #tpu.core_type<tc>, window_params = [{transform_indices = @transform_0, window_bounds = array<i64: 1280, 128>}, {transform_indices = @transform_1, window_bounds = array<i64: 1280, 128>}]} {
    %get3A = arith.constant 0 : index
    %get3A_0 = arith.constant 0 : index
    %get3A_1 = vector.load %arg1[%get3A, %get3A_0] : memref<1280x128xf32, #tpu.memory_space<vmem>>, vector<1280x128xf32>
    %mul3A = arith.mulf %get3A_1, %get3A_1 : vector<1280x128xf32>
    %reduce_sum3A = arith.constant dense<0.000000e+00> : vector<1280xf32>
    %reduce_sum3A_2 = vector.multi_reduction <add>, %mul3A, %reduce_sum3A [1] : vector<1280x128xf32> to vector<1280xf32>
    %broadcast_in_dim3A = vector.shape_cast %reduce_sum3A_2 : vector<1280xf32> to vector<1280x1xf32>
    %sqrt3A = math.sqrt %broadcast_in_dim3A : vector<1280x1xf32>
    %max3A = arith.constant 9.99999996E-13 : f32
    %max3A_3 = vector.broadcast %max3A : f32 to vector<1280x1xf32>
    %max3A_4 = arith.maximumf %sqrt3A, %max3A_3 : vector<1280x1xf32>
    %div3A = vector.broadcast %max3A_4 : vector<1280x1xf32> to vector<1280x128xf32>
    %div3A_5 = arith.divf %get3A_1, %div3A : vector<1280x128xf32>
    %swap3A = arith.constant 0 : index
    %swap3A_6 = arith.constant 0 : index
    %swap3A_7 = vector.load %arg2[%swap3A, %swap3A_6] : memref<1280x128xf32, #tpu.memory_space<vmem>>, vector<1280x128xf32>
    tpu.vector_store %arg2[%swap3A, %swap3A_6], %div3A_5 {strides = array<i32>} : memref<1280x128xf32, #tpu.memory_space<vmem>>, vector<1280x128xf32>,
    return
  }
  func.func @transform_0(%arg0: i32) -> (i32, i32) {
    %c0_i32 = arith.constant 0 : i32
    %c0_i32_0 = arith.constant 0 : i32
    return %arg0, %c0_i32 : i32, i32
  }
  func.func @transform_1(%arg0: i32) -> (i32, i32) {
    %c0_i32 = arith.constant 0 : i32
    %c0_i32_0 = arith.constant 0 : i32
    return %arg0, %c0_i32 : i32, i32
  }
}

module attributes {stable_mosaic.version = 14 : i64} {
  func.func @_gru_body(%arg0: memref<400x128xf32, #tpu.memory_space<vmem>>, %arg1: memref<2x512x128xf32, #tpu.memory_space<vmem>>, %arg2: memref<2x512x128xf32, #tpu.memory_space<vmem>>, %arg3: memref<384x256xf32, #tpu.memory_space<vmem>>, %arg4: memref<384x128xf32, #tpu.memory_space<vmem>>, %arg5: memref<1x384xf32, #tpu.memory_space<vmem>>, %arg6: memref<1x384xf32, #tpu.memory_space<vmem>>, %arg7: memref<400x128xf32, #tpu.memory_space<vmem>>) attributes {dimension_semantics = [], scalar_prefetch = 0 : i64, scratch_operands = 0 : i64, tpu.core_type = #tpu.core_type<tc>} {
    %get3A = arith.constant 0 : index
    %get3A_0 = arith.constant 0 : index
    %get3A_1 = vector.load %arg0[%get3A, %get3A_0] : memref<400x128xf32, #tpu.memory_space<vmem>>, vector<400x128xf32>
    %get3A_2 = arith.constant 0 : index
    %get3A_3 = arith.constant 0 : index
    %get3A_4 = arith.constant 0 : index
    %get3A_5 = vector.load %arg1[%get3A_2, %get3A_3, %get3A_4] : memref<2x512x128xf32, #tpu.memory_space<vmem>>, vector<1x400x128xf32>
    %get3A_6 = vector.shape_cast %get3A_5 : vector<1x400x128xf32> to vector<400x128xf32>
    %get3A_7 = arith.constant 1 : index
    %get3A_8 = arith.constant 0 : index
    %get3A_9 = arith.constant 0 : index
    %get3A_10 = vector.load %arg1[%get3A_7, %get3A_8, %get3A_9] : memref<2x512x128xf32, #tpu.memory_space<vmem>>, vector<1x400x128xf32>
    %get3A_11 = vector.shape_cast %get3A_10 : vector<1x400x128xf32> to vector<400x128xf32>
    %add3A = arith.addf %get3A_6, %get3A_11 : vector<400x128xf32>
    %get3A_12 = arith.constant 0 : index
    %get3A_13 = arith.constant 0 : index
    %get3A_14 = arith.constant 0 : index
    %get3A_15 = vector.load %arg2[%get3A_12, %get3A_13, %get3A_14] : memref<2x512x128xf32, #tpu.memory_space<vmem>>, vector<1x400x1xf32>
    %get3A_16 = vector.shape_cast %get3A_15 : vector<1x400x1xf32> to vector<400x1xf32>
    %get3A_17 = arith.constant 1 : index
    %get3A_18 = arith.constant 0 : index
    %get3A_19 = arith.constant 0 : index
    %get3A_20 = vector.load %arg2[%get3A_17, %get3A_18, %get3A_19] : memref<2x512x128xf32, #tpu.memory_space<vmem>>, vector<1x400x1xf32>
    %get3A_21 = vector.shape_cast %get3A_20 : vector<1x400x1xf32> to vector<400x1xf32>
    %add3A_22 = arith.addf %get3A_16, %get3A_21 : vector<400x1xf32>
    %max3A = arith.constant 1.000000e+00 : f32
    %max3A_23 = vector.broadcast %max3A : f32 to vector<400x1xf32>
    %max3A_24 = arith.maximumf %add3A_22, %max3A_23 : vector<400x1xf32>
    %div3A = vector.broadcast %max3A_24 : vector<400x1xf32> to vector<400x128xf32>
    %div3A_25 = arith.divf %add3A, %div3A : vector<400x128xf32>
    %get3A_26 = arith.constant 0 : index
    %get3A_27 = arith.constant 0 : index
    %get3A_28 = vector.load %arg3[%get3A_26, %get3A_27] : memref<384x256xf32, #tpu.memory_space<vmem>>, vector<384x256xf32>
    %slice3A = vector.extract_strided_slice %get3A_28 {offsets = [0, 0], sizes = [384, 128], strides = [1, 1]} : vector<384x256xf32> to vector<384x128xf32>
    %dot_general3A = arith.constant dense<0.000000e+00> : vector<400x384xf32>
    %dot_general3A_29 = tpu.matmul %get3A_1, %slice3A, %dot_general3A {dimension_numbers = #tpu.dot_dimension_numbers<[1], [1], [0], [0], [0, 0, 1, 0], [], []>, transpose_lhs_hint = false} : vector<400x128xf32>, vector<384x128xf32>, vector<400x384xf32> -> vector<400x384xf32>
    %slice3A_30 = vector.extract_strided_slice %get3A_28 {offsets = [0, 128], sizes = [384, 128], strides = [1, 1]} : vector<384x256xf32> to vector<384x128xf32>
    %dot_general3A_31 = arith.constant dense<0.000000e+00> : vector<400x384xf32>
    %dot_general3A_32 = tpu.matmul %div3A_25, %slice3A_30, %dot_general3A_31 {dimension_numbers = #tpu.dot_dimension_numbers<[1], [1], [0], [0], [0, 0, 1, 0], [], []>, transpose_lhs_hint = false} : vector<400x128xf32>, vector<384x128xf32>, vector<400x384xf32> -> vector<400x384xf32>
    %add3A_33 = arith.addf %dot_general3A_29, %dot_general3A_32 : vector<400x384xf32>
    %get3A_34 = arith.constant 0 : index
    %get3A_35 = arith.constant 0 : index
    %get3A_36 = vector.load %arg5[%get3A_34, %get3A_35] : memref<1x384xf32, #tpu.memory_space<vmem>>, vector<1x384xf32>
    %add3A_37 = vector.broadcast %get3A_36 : vector<1x384xf32> to vector<400x384xf32>
    %add3A_38 = arith.addf %add3A_33, %add3A_37 : vector<400x384xf32>
    %get3A_39 = arith.constant 0 : index
    %get3A_40 = arith.constant 0 : index
    %get3A_41 = vector.load %arg4[%get3A_39, %get3A_40] : memref<384x128xf32, #tpu.memory_space<vmem>>, vector<384x128xf32>
    %dot_general3A_42 = arith.constant dense<0.000000e+00> : vector<400x384xf32>
    %dot_general3A_43 = tpu.matmul %get3A_1, %get3A_41, %dot_general3A_42 {dimension_numbers = #tpu.dot_dimension_numbers<[1], [1], [0], [0], [0, 0, 1, 0], [], []>, transpose_lhs_hint = false} : vector<400x128xf32>, vector<384x128xf32>, vector<400x384xf32> -> vector<400x384xf32>
    %get3A_44 = arith.constant 0 : index
    %get3A_45 = arith.constant 0 : index
    %get3A_46 = vector.load %arg6[%get3A_44, %get3A_45] : memref<1x384xf32, #tpu.memory_space<vmem>>, vector<1x384xf32>
    %add3A_47 = vector.broadcast %get3A_46 : vector<1x384xf32> to vector<400x384xf32>
    %add3A_48 = arith.addf %dot_general3A_43, %add3A_47 : vector<400x384xf32>
    %slice3A_49 = vector.extract_strided_slice %add3A_38 {offsets = [0, 0], sizes = [400, 128], strides = [1, 1]} : vector<400x384xf32> to vector<400x128xf32>
    %slice3A_50 = vector.extract_strided_slice %add3A_48 {offsets = [0, 0], sizes = [400, 128], strides = [1, 1]} : vector<400x384xf32> to vector<400x128xf32>
    %add3A_51 = arith.addf %slice3A_49, %slice3A_50 : vector<400x128xf32>
    %logistic3A = arith.negf %add3A_51 : vector<400x128xf32>
    %logistic3A_52 = math.exp %logistic3A : vector<400x128xf32>
    %logistic3A_53 = arith.constant 1.000000e+00 : f32
    %logistic3A_54 = vector.broadcast %logistic3A_53 : f32 to vector<400x128xf32>
    %logistic3A_55 = arith.addf %logistic3A_54, %logistic3A_52 : vector<400x128xf32>
    %logistic3A_56 = arith.divf %logistic3A_54, %logistic3A_55 : vector<400x128xf32>
    %slice3A_57 = vector.extract_strided_slice %add3A_38 {offsets = [0, 128], sizes = [400, 128], strides = [1, 1]} : vector<400x384xf32> to vector<400x128xf32>
    %slice3A_58 = vector.extract_strided_slice %add3A_48 {offsets = [0, 128], sizes = [400, 128], strides = [1, 1]} : vector<400x384xf32> to vector<400x128xf32>
    %add3A_59 = arith.addf %slice3A_57, %slice3A_58 : vector<400x128xf32>
    %logistic3A_60 = arith.negf %add3A_59 : vector<400x128xf32>
    %logistic3A_61 = math.exp %logistic3A_60 : vector<400x128xf32>
    %logistic3A_62 = arith.constant 1.000000e+00 : f32
    %logistic3A_63 = vector.broadcast %logistic3A_62 : f32 to vector<400x128xf32>
    %logistic3A_64 = arith.addf %logistic3A_63, %logistic3A_61 : vector<400x128xf32>
    %logistic3A_65 = arith.divf %logistic3A_63, %logistic3A_64 : vector<400x128xf32>
    %slice3A_66 = vector.extract_strided_slice %add3A_38 {offsets = [0, 256], sizes = [400, 128], strides = [1, 1]} : vector<400x384xf32> to vector<400x128xf32>
    %slice3A_67 = vector.extract_strided_slice %add3A_48 {offsets = [0, 256], sizes = [400, 128], strides = [1, 1]} : vector<400x384xf32> to vector<400x128xf32>
    %mul3A = arith.mulf %logistic3A_56, %slice3A_67 : vector<400x128xf32>
    %add3A_68 = arith.addf %slice3A_66, %mul3A : vector<400x128xf32>
    %tanh3A = math.tanh %add3A_68 : vector<400x128xf32>
    %sub3A = arith.constant 1.000000e+00 : f32
    %sub3A_69 = vector.broadcast %sub3A : f32 to vector<400x128xf32>
    %sub3A_70 = arith.subf %sub3A_69, %logistic3A_65 : vector<400x128xf32>
    %mul3A_71 = arith.mulf %sub3A_70, %tanh3A : vector<400x128xf32>
    %mul3A_72 = arith.mulf %logistic3A_65, %get3A_1 : vector<400x128xf32>
    %add3A_73 = arith.addf %mul3A_71, %mul3A_72 : vector<400x128xf32>
    %mul3A_74 = arith.mulf %add3A_73, %add3A_73 : vector<400x128xf32>
    %reduce_sum3A = arith.constant dense<0.000000e+00> : vector<400xf32>
    %reduce_sum3A_75 = vector.multi_reduction <add>, %mul3A_74, %reduce_sum3A [1] : vector<400x128xf32> to vector<400xf32>
    %broadcast_in_dim3A = vector.shape_cast %reduce_sum3A_75 : vector<400xf32> to vector<400x1xf32>
    %sqrt3A = math.sqrt %broadcast_in_dim3A : vector<400x1xf32>
    %max3A_76 = arith.constant 9.99999996E-13 : f32
    %max3A_77 = vector.broadcast %max3A_76 : f32 to vector<400x1xf32>
    %max3A_78 = arith.maximumf %sqrt3A, %max3A_77 : vector<400x1xf32>
    %div3A_79 = vector.broadcast %max3A_78 : vector<400x1xf32> to vector<400x128xf32>
    %div3A_80 = arith.divf %add3A_73, %div3A_79 : vector<400x128xf32>
    %swap3A = arith.constant 0 : index
    %swap3A_81 = arith.constant 0 : index
    %swap3A_82 = vector.load %arg7[%swap3A, %swap3A_81] : memref<400x128xf32, #tpu.memory_space<vmem>>, vector<400x128xf32>
    tpu.vector_store %arg7[%swap3A, %swap3A_81], %div3A_80 {strides = array<i32>} : memref<400x128xf32, #tpu.memory_space<vmem>>, vector<400x128xf32>,
    return
  }
}

module attributes {stable_mosaic.version = 14 : i64} {
  func.func @_layer_body(%arg0: i32, %arg1: memref<2x1280x128xf32, #tpu.memory_space<vmem>>, %arg2: memref<2x1280x128xf32, #tpu.memory_space<vmem>>, %arg3: memref<1280x128xf32, #tpu.memory_space<vmem>>, %arg4: memref<128x128xf32, #tpu.memory_space<vmem>>, %arg5: memref<128x128xf32, #tpu.memory_space<vmem>>, %arg6: memref<128x128xf32, #tpu.memory_space<vmem>>, %arg7: memref<1280x128xf32, #tpu.memory_space<vmem>>) attributes {dimension_semantics = [#tpu.dimension_semantics<arbitrary>], iteration_bounds = array<i64: 8>, scalar_prefetch = 0 : i64, scratch_operands = 0 : i64, tpu.core_type = #tpu.core_type<tc>, window_params = [{transform_indices = @transform_0, window_bounds = array<i64: 2, 1280, 128>}, {transform_indices = @transform_1, window_bounds = array<i64: 2, 1280, 128>}, {transform_indices = @transform_2, window_bounds = array<i64: 1280, 128>}, {pipeline_mode = #tpu.pipeline_mode<synchronous>, transform_indices = @transform_3, window_bounds = array<i64: 128, 128>}, {pipeline_mode = #tpu.pipeline_mode<synchronous>, transform_indices = @transform_4, window_bounds = array<i64: 128, 128>}, {pipeline_mode = #tpu.pipeline_mode<synchronous>, transform_indices = @transform_5, window_bounds = array<i64: 128, 128>}, {transform_indices = @transform_6, window_bounds = array<i64: 1280, 128>}]} {
    %get3A = arith.constant 0 : index
    %get3A_0 = arith.constant 0 : index
    %get3A_1 = arith.constant 0 : index
    %get3A_2 = vector.load %arg1[%get3A, %get3A_0, %get3A_1] : memref<2x1280x128xf32, #tpu.memory_space<vmem>>, vector<1x1280x128xf32>
    %get3A_3 = vector.shape_cast %get3A_2 : vector<1x1280x128xf32> to vector<1280x128xf32>
    %get3A_4 = arith.constant 1 : index
    %get3A_5 = arith.constant 0 : index
    %get3A_6 = arith.constant 0 : index
    %get3A_7 = vector.load %arg1[%get3A_4, %get3A_5, %get3A_6] : memref<2x1280x128xf32, #tpu.memory_space<vmem>>, vector<1x1280x128xf32>
    %get3A_8 = vector.shape_cast %get3A_7 : vector<1x1280x128xf32> to vector<1280x128xf32>
    %add3A = arith.addf %get3A_3, %get3A_8 : vector<1280x128xf32>
    %get3A_9 = arith.constant 0 : index
    %get3A_10 = arith.constant 0 : index
    %get3A_11 = arith.constant 0 : index
    %get3A_12 = vector.load %arg2[%get3A_9, %get3A_10, %get3A_11] : memref<2x1280x128xf32, #tpu.memory_space<vmem>>, vector<1x1280x1xf32>
    %get3A_13 = vector.shape_cast %get3A_12 : vector<1x1280x1xf32> to vector<1280x1xf32>
    %get3A_14 = arith.constant 1 : index
    %get3A_15 = arith.constant 0 : index
    %get3A_16 = arith.constant 0 : index
    %get3A_17 = vector.load %arg2[%get3A_14, %get3A_15, %get3A_16] : memref<2x1280x128xf32, #tpu.memory_space<vmem>>, vector<1x1280x1xf32>
    %get3A_18 = vector.shape_cast %get3A_17 : vector<1x1280x1xf32> to vector<1280x1xf32>
    %add3A_19 = arith.addf %get3A_13, %get3A_18 : vector<1280x1xf32>
    %max3A = arith.constant 1.000000e+00 : f32
    %max3A_20 = vector.broadcast %max3A : f32 to vector<1280x1xf32>
    %max3A_21 = arith.maximumf %add3A_19, %max3A_20 : vector<1280x1xf32>
    %div3A = arith.constant 1.000000e+00 : f32
    %div3A_22 = vector.broadcast %div3A : f32 to vector<1280x1xf32>
    %div3A_23 = arith.divf %div3A_22, %max3A_21 : vector<1280x1xf32>
    %get3A_24 = arith.constant 0 : index
    %get3A_25 = arith.constant 0 : index
    %get3A_26 = vector.load %arg3[%get3A_24, %get3A_25] : memref<1280x128xf32, #tpu.memory_space<vmem>>, vector<1280x128xf32>
    %get3A_27 = arith.constant 0 : index
    %get3A_28 = arith.constant 0 : index
    %get3A_29 = vector.load %arg4[%get3A_27, %get3A_28] : memref<128x128xf32, #tpu.memory_space<vmem>>, vector<128x128xf32>
    %dot_general3A = arith.constant dense<0.000000e+00> : vector<1280x128xf32>
    %dot_general3A_30 = tpu.matmul %add3A, %get3A_29, %dot_general3A {dimension_numbers = #tpu.dot_dimension_numbers<[1], [0], [0], [1], [0, 0, 1, 1], [], []>, transpose_lhs_hint = false} : vector<1280x128xf32>, vector<128x128xf32>, vector<1280x128xf32> -> vector<1280x128xf32>
    %mul3A = vector.broadcast %div3A_23 : vector<1280x1xf32> to vector<1280x128xf32>
    %mul3A_31 = arith.mulf %dot_general3A_30, %mul3A : vector<1280x128xf32>
    %gt3A = arith.constant 0.000000e+00 : f32
    %gt3A_32 = vector.broadcast %gt3A : f32 to vector<1280x1xf32>
    %gt3A_33 = arith.cmpf ogt, %add3A_19, %gt3A_32 : vector<1280x1xf32>
    %get3A_34 = arith.constant 0 : index
    %get3A_35 = arith.constant 0 : index
    %get3A_36 = vector.load %arg5[%get3A_34, %get3A_35] : memref<128x128xf32, #tpu.memory_space<vmem>>, vector<128x128xf32>
    %dot_general3A_37 = arith.constant dense<0.000000e+00> : vector<1280x128xf32>
    %dot_general3A_38 = tpu.matmul %get3A_26, %get3A_36, %dot_general3A_37 {dimension_numbers = #tpu.dot_dimension_numbers<[1], [0], [0], [1], [0, 0, 1, 1], [], []>, transpose_lhs_hint = false} : vector<1280x128xf32>, vector<128x128xf32>, vector<1280x128xf32> -> vector<1280x128xf32>
    %get3A_39 = arith.constant 0 : index
    %get3A_40 = arith.constant 0 : index
    %get3A_41 = vector.load %arg6[%get3A_39, %get3A_40] : memref<128x128xf32, #tpu.memory_space<vmem>>, vector<128x128xf32>
    %dot_general3A_42 = arith.constant dense<0.000000e+00> : vector<1280x128xf32>
    %dot_general3A_43 = tpu.matmul %get3A_26, %get3A_41, %dot_general3A_42 {dimension_numbers = #tpu.dot_dimension_numbers<[1], [0], [0], [1], [0, 0, 1, 1], [], []>, transpose_lhs_hint = false} : vector<1280x128xf32>, vector<128x128xf32>, vector<1280x128xf32> -> vector<1280x128xf32>
    %broadcast_in_dim3A = vector.shape_cast %gt3A_33 : vector<1280x1xi1> to vector<1280x1xi1>
    %broadcast_in_dim3A_44 = vector.broadcast %broadcast_in_dim3A : vector<1280x1xi1> to vector<1280x128xi1>
    %select_n3A = arith.select %broadcast_in_dim3A_44, %dot_general3A_38, %dot_general3A_43 : vector<1280x128xi1>, vector<1280x128xf32>
    %add3A_45 = arith.addf %mul3A_31, %select_n3A : vector<1280x128xf32>
    %ge3A = arith.constant 0.000000e+00 : f32
    %ge3A_46 = vector.broadcast %ge3A : f32 to vector<1280x128xf32>
    %ge3A_47 = arith.cmpf oge, %add3A_45, %ge3A_46 : vector<1280x128xf32>
    %mul3A_48 = arith.constant 0.229166672 : f32
    %mul3A_49 = vector.broadcast %mul3A_48 : f32 to vector<1280x128xf32>
    %mul3A_50 = arith.mulf %add3A_45, %mul3A_49 : vector<1280x128xf32>
    %select_n3A_51 = arith.select %ge3A_47, %add3A_45, %mul3A_50 : vector<1280x128xi1>, vector<1280x128xf32>
    %swap3A = arith.constant 0 : index
    %swap3A_52 = arith.constant 0 : index
    %swap3A_53 = vector.load %arg7[%swap3A, %swap3A_52] : memref<1280x128xf32, #tpu.memory_space<vmem>>, vector<1280x128xf32>
    tpu.vector_store %arg7[%swap3A, %swap3A_52], %select_n3A_51 {strides = array<i32>} : memref<1280x128xf32, #tpu.memory_space<vmem>>, vector<1280x128xf32>,
    return
  }
  func.func @transform_0(%arg0: i32) -> (i32, i32, i32) {
    %c0_i32 = arith.constant 0 : i32
    %c0_i32_0 = arith.constant 0 : i32
    %c0_i32_1 = arith.constant 0 : i32
    return %c0_i32, %arg0, %c0_i32_0 : i32, i32, i32
  }
  func.func @transform_1(%arg0: i32) -> (i32, i32, i32) {
    %c0_i32 = arith.constant 0 : i32
    %c0_i32_0 = arith.constant 0 : i32
    %c0_i32_1 = arith.constant 0 : i32
    return %c0_i32, %arg0, %c0_i32_0 : i32, i32, i32
  }
  func.func @transform_2(%arg0: i32) -> (i32, i32) {
    %c0_i32 = arith.constant 0 : i32
    %c0_i32_0 = arith.constant 0 : i32
    return %arg0, %c0_i32 : i32, i32
  }
  func.func @transform_3(%arg0: i32) -> (i32, i32) {
    %c0_i32 = arith.constant 0 : i32
    %c0_i32_0 = arith.constant 0 : i32
    %c0_i32_1 = arith.constant 0 : i32
    return %c0_i32, %c0_i32_0 : i32, i32
  }
  func.func @transform_4(%arg0: i32) -> (i32, i32) {
    %c0_i32 = arith.constant 0 : i32
    %c0_i32_0 = arith.constant 0 : i32
    %c0_i32_1 = arith.constant 0 : i32
    return %c0_i32, %c0_i32_0 : i32, i32
  }
  func.func @transform_5(%arg0: i32) -> (i32, i32) {
    %c0_i32 = arith.constant 0 : i32
    %c0_i32_0 = arith.constant 0 : i32
    %c0_i32_1 = arith.constant 0 : i32
    return %c0_i32, %c0_i32_0 : i32, i32
  }
  func.func @transform_6(%arg0: i32) -> (i32, i32) {
    %c0_i32 = arith.constant 0 : i32
    %c0_i32_0 = arith.constant 0 : i32
    return %arg0, %c0_i32 : i32, i32
  }
}

module attributes {stable_mosaic.version = 14 : i64} {
  func.func @_final_body(%arg0: i32, %arg1: memref<2x1280x128xf32, #tpu.memory_space<vmem>>, %arg2: memref<2x1280x128xf32, #tpu.memory_space<vmem>>, %arg3: memref<1280x128xf32, #tpu.memory_space<vmem>>, %arg4: memref<1280x128xf32, #tpu.memory_space<vmem>>, %arg5: memref<128x128xf32, #tpu.memory_space<vmem>>, %arg6: memref<128x128xf32, #tpu.memory_space<vmem>>, %arg7: memref<128x128xf32, #tpu.memory_space<vmem>>, %arg8: memref<128x128xf32, #tpu.memory_space<vmem>>, %arg9: memref<1x128xf32, #tpu.memory_space<vmem>>, %arg10: memref<1280x128xf32, #tpu.memory_space<vmem>>) attributes {dimension_semantics = [#tpu.dimension_semantics<arbitrary>], iteration_bounds = array<i64: 8>, scalar_prefetch = 0 : i64, scratch_operands = 0 : i64, tpu.core_type = #tpu.core_type<tc>, window_params = [{transform_indices = @transform_0, window_bounds = array<i64: 2, 1280, 128>}, {transform_indices = @transform_1, window_bounds = array<i64: 2, 1280, 128>}, {transform_indices = @transform_2, window_bounds = array<i64: 1280, 128>}, {transform_indices = @transform_3, window_bounds = array<i64: 1280, 128>}, {pipeline_mode = #tpu.pipeline_mode<synchronous>, transform_indices = @transform_4, window_bounds = array<i64: 128, 128>}, {pipeline_mode = #tpu.pipeline_mode<synchronous>, transform_indices = @transform_5, window_bounds = array<i64: 128, 128>}, {pipeline_mode = #tpu.pipeline_mode<synchronous>, transform_indices = @transform_6, window_bounds = array<i64: 128, 128>}, {pipeline_mode = #tpu.pipeline_mode<synchronous>, transform_indices = @transform_7, window_bounds = array<i64: 128, 128>}, {pipeline_mode = #tpu.pipeline_mode<synchronous>, transform_indices = @transform_8, window_bounds = array<i64: 1, 128>}, {transform_indices = @transform_9, window_bounds = array<i64: 1280, 128>}]} {
    %get3A = arith.constant 0 : index
    %get3A_0 = arith.constant 0 : index
    %get3A_1 = arith.constant 0 : index
    %get3A_2 = vector.load %arg1[%get3A, %get3A_0, %get3A_1] : memref<2x1280x128xf32, #tpu.memory_space<vmem>>, vector<1x1280x128xf32>
    %get3A_3 = vector.shape_cast %get3A_2 : vector<1x1280x128xf32> to vector<1280x128xf32>
    %get3A_4 = arith.constant 1 : index
    %get3A_5 = arith.constant 0 : index
    %get3A_6 = arith.constant 0 : index
    %get3A_7 = vector.load %arg1[%get3A_4, %get3A_5, %get3A_6] : memref<2x1280x128xf32, #tpu.memory_space<vmem>>, vector<1x1280x128xf32>
    %get3A_8 = vector.shape_cast %get3A_7 : vector<1x1280x128xf32> to vector<1280x128xf32>
    %add3A = arith.addf %get3A_3, %get3A_8 : vector<1280x128xf32>
    %get3A_9 = arith.constant 0 : index
    %get3A_10 = arith.constant 0 : index
    %get3A_11 = arith.constant 0 : index
    %get3A_12 = vector.load %arg2[%get3A_9, %get3A_10, %get3A_11] : memref<2x1280x128xf32, #tpu.memory_space<vmem>>, vector<1x1280x1xf32>
    %get3A_13 = vector.shape_cast %get3A_12 : vector<1x1280x1xf32> to vector<1280x1xf32>
    %get3A_14 = arith.constant 1 : index
    %get3A_15 = arith.constant 0 : index
    %get3A_16 = arith.constant 0 : index
    %get3A_17 = vector.load %arg2[%get3A_14, %get3A_15, %get3A_16] : memref<2x1280x128xf32, #tpu.memory_space<vmem>>, vector<1x1280x1xf32>
    %get3A_18 = vector.shape_cast %get3A_17 : vector<1x1280x1xf32> to vector<1280x1xf32>
    %add3A_19 = arith.addf %get3A_13, %get3A_18 : vector<1280x1xf32>
    %max3A = arith.constant 1.000000e+00 : f32
    %max3A_20 = vector.broadcast %max3A : f32 to vector<1280x1xf32>
    %max3A_21 = arith.maximumf %add3A_19, %max3A_20 : vector<1280x1xf32>
    %div3A = arith.constant 1.000000e+00 : f32
    %div3A_22 = vector.broadcast %div3A : f32 to vector<1280x1xf32>
    %div3A_23 = arith.divf %div3A_22, %max3A_21 : vector<1280x1xf32>
    %get3A_24 = arith.constant 0 : index
    %get3A_25 = arith.constant 0 : index
    %get3A_26 = vector.load %arg3[%get3A_24, %get3A_25] : memref<1280x128xf32, #tpu.memory_space<vmem>>, vector<1280x128xf32>
    %get3A_27 = arith.constant 0 : index
    %get3A_28 = arith.constant 0 : index
    %get3A_29 = vector.load %arg5[%get3A_27, %get3A_28] : memref<128x128xf32, #tpu.memory_space<vmem>>, vector<128x128xf32>
    %dot_general3A = arith.constant dense<0.000000e+00> : vector<1280x128xf32>
    %dot_general3A_30 = tpu.matmul %add3A, %get3A_29, %dot_general3A {dimension_numbers = #tpu.dot_dimension_numbers<[1], [0], [0], [1], [0, 0, 1, 1], [], []>, transpose_lhs_hint = false} : vector<1280x128xf32>, vector<128x128xf32>, vector<1280x128xf32> -> vector<1280x128xf32>
    %mul3A = vector.broadcast %div3A_23 : vector<1280x1xf32> to vector<1280x128xf32>
    %mul3A_31 = arith.mulf %dot_general3A_30, %mul3A : vector<1280x128xf32>
    %gt3A = arith.constant 0.000000e+00 : f32
    %gt3A_32 = vector.broadcast %gt3A : f32 to vector<1280x1xf32>
    %gt3A_33 = arith.cmpf ogt, %add3A_19, %gt3A_32 : vector<1280x1xf32>
    %get3A_34 = arith.constant 0 : index
    %get3A_35 = arith.constant 0 : index
    %get3A_36 = vector.load %arg6[%get3A_34, %get3A_35] : memref<128x128xf32, #tpu.memory_space<vmem>>, vector<128x128xf32>
    %dot_general3A_37 = arith.constant dense<0.000000e+00> : vector<1280x128xf32>
    %dot_general3A_38 = tpu.matmul %get3A_26, %get3A_36, %dot_general3A_37 {dimension_numbers = #tpu.dot_dimension_numbers<[1], [0], [0], [1], [0, 0, 1, 1], [], []>, transpose_lhs_hint = false} : vector<1280x128xf32>, vector<128x128xf32>, vector<1280x128xf32> -> vector<1280x128xf32>
    %get3A_39 = arith.constant 0 : index
    %get3A_40 = arith.constant 0 : index
    %get3A_41 = vector.load %arg7[%get3A_39, %get3A_40] : memref<128x128xf32, #tpu.memory_space<vmem>>, vector<128x128xf32>
    %dot_general3A_42 = arith.constant dense<0.000000e+00> : vector<1280x128xf32>
    %dot_general3A_43 = tpu.matmul %get3A_26, %get3A_41, %dot_general3A_42 {dimension_numbers = #tpu.dot_dimension_numbers<[1], [0], [0], [1], [0, 0, 1, 1], [], []>, transpose_lhs_hint = false} : vector<1280x128xf32>, vector<128x128xf32>, vector<1280x128xf32> -> vector<1280x128xf32>
    %broadcast_in_dim3A = vector.shape_cast %gt3A_33 : vector<1280x1xi1> to vector<1280x1xi1>
    %broadcast_in_dim3A_44 = vector.broadcast %broadcast_in_dim3A : vector<1280x1xi1> to vector<1280x128xi1>
    %select_n3A = arith.select %broadcast_in_dim3A_44, %dot_general3A_38, %dot_general3A_43 : vector<1280x128xi1>, vector<1280x128xf32>
    %add3A_45 = arith.addf %mul3A_31, %select_n3A : vector<1280x128xf32>
    %ge3A = arith.constant 0.000000e+00 : f32
    %ge3A_46 = vector.broadcast %ge3A : f32 to vector<1280x128xf32>
    %ge3A_47 = arith.cmpf oge, %add3A_45, %ge3A_46 : vector<1280x128xf32>
    %mul3A_48 = arith.constant 0.229166672 : f32
    %mul3A_49 = vector.broadcast %mul3A_48 : f32 to vector<1280x128xf32>
    %mul3A_50 = arith.mulf %add3A_45, %mul3A_49 : vector<1280x128xf32>
    %select_n3A_51 = arith.select %ge3A_47, %add3A_45, %mul3A_50 : vector<1280x128xi1>, vector<1280x128xf32>
    %mul3A_52 = arith.mulf %select_n3A_51, %select_n3A_51 : vector<1280x128xf32>
    %reduce_sum3A = arith.constant dense<0.000000e+00> : vector<1280xf32>
    %reduce_sum3A_53 = vector.multi_reduction <add>, %mul3A_52, %reduce_sum3A [1] : vector<1280x128xf32> to vector<1280xf32>
    %broadcast_in_dim3A_54 = vector.shape_cast %reduce_sum3A_53 : vector<1280xf32> to vector<1280x1xf32>
    %sqrt3A = math.sqrt %broadcast_in_dim3A_54 : vector<1280x1xf32>
    %max3A_55 = arith.constant 9.99999996E-13 : f32
    %max3A_56 = vector.broadcast %max3A_55 : f32 to vector<1280x1xf32>
    %max3A_57 = arith.maximumf %sqrt3A, %max3A_56 : vector<1280x1xf32>
    %div3A_58 = vector.broadcast %max3A_57 : vector<1280x1xf32> to vector<1280x128xf32>
    %div3A_59 = arith.divf %select_n3A_51, %div3A_58 : vector<1280x128xf32>
    %get3A_60 = arith.constant 0 : index
    %get3A_61 = arith.constant 0 : index
    %get3A_62 = vector.load %arg4[%get3A_60, %get3A_61] : memref<1280x128xf32, #tpu.memory_space<vmem>>, vector<1280x128xf32>
    %get3A_63 = arith.constant 0 : index
    %get3A_64 = arith.constant 0 : index
    %get3A_65 = vector.load %arg8[%get3A_63, %get3A_64] : memref<128x128xf32, #tpu.memory_space<vmem>>, vector<128x128xf32>
    %dot_general3A_66 = arith.constant dense<0.000000e+00> : vector<1280x128xf32>
    %dot_general3A_67 = tpu.matmul %get3A_62, %get3A_65, %dot_general3A_66 {dimension_numbers = #tpu.dot_dimension_numbers<[1], [0], [0], [1], [0, 0, 1, 1], [], []>, transpose_lhs_hint = false} : vector<1280x128xf32>, vector<128x128xf32>, vector<1280x128xf32> -> vector<1280x128xf32>
    %get3A_68 = arith.constant 0 : index
    %get3A_69 = arith.constant 0 : index
    %get3A_70 = vector.load %arg9[%get3A_68, %get3A_69] : memref<1x128xf32, #tpu.memory_space<vmem>>, vector<1x128xf32>
    %add3A_71 = vector.broadcast %get3A_70 : vector<1x128xf32> to vector<1280x128xf32>
    %add3A_72 = arith.addf %dot_general3A_67, %add3A_71 : vector<1280x128xf32>
    %logistic3A = arith.negf %add3A_72 : vector<1280x128xf32>
    %logistic3A_73 = math.exp %logistic3A : vector<1280x128xf32>
    %logistic3A_74 = arith.constant 1.000000e+00 : f32
    %logistic3A_75 = vector.broadcast %logistic3A_74 : f32 to vector<1280x128xf32>
    %logistic3A_76 = arith.addf %logistic3A_75, %logistic3A_73 : vector<1280x128xf32>
    %logistic3A_77 = arith.divf %logistic3A_75, %logistic3A_76 : vector<1280x128xf32>
    %mul3A_78 = arith.mulf %logistic3A_77, %div3A_59 : vector<1280x128xf32>
    %sub3A = arith.constant 1.000000e+00 : f32
    %sub3A_79 = vector.broadcast %sub3A : f32 to vector<1280x128xf32>
    %sub3A_80 = arith.subf %sub3A_79, %logistic3A_77 : vector<1280x128xf32>
    %mul3A_81 = arith.mulf %sub3A_80, %get3A_62 : vector<1280x128xf32>
    %add3A_82 = arith.addf %mul3A_78, %mul3A_81 : vector<1280x128xf32>
    %swap3A = arith.constant 0 : index
    %swap3A_83 = arith.constant 0 : index
    %swap3A_84 = vector.load %arg10[%swap3A, %swap3A_83] : memref<1280x128xf32, #tpu.memory_space<vmem>>, vector<1280x128xf32>
    tpu.vector_store %arg10[%swap3A, %swap3A_83], %add3A_82 {strides = array<i32>} : memref<1280x128xf32, #tpu.memory_space<vmem>>, vector<1280x128xf32>,
    return
  }
  func.func @transform_0(%arg0: i32) -> (i32, i32, i32) {
    %c0_i32 = arith.constant 0 : i32
    %c0_i32_0 = arith.constant 0 : i32
    %c0_i32_1 = arith.constant 0 : i32
    return %c0_i32, %arg0, %c0_i32_0 : i32, i32, i32
  }
  func.func @transform_1(%arg0: i32) -> (i32, i32, i32) {
    %c0_i32 = arith.constant 0 : i32
    %c0_i32_0 = arith.constant 0 : i32
    %c0_i32_1 = arith.constant 0 : i32
    return %c0_i32, %arg0, %c0_i32_0 : i32, i32, i32
  }
  func.func @transform_2(%arg0: i32) -> (i32, i32) {
    %c0_i32 = arith.constant 0 : i32
    %c0_i32_0 = arith.constant 0 : i32
    return %arg0, %c0_i32 : i32, i32
  }
  func.func @transform_3(%arg0: i32) -> (i32, i32) {
    %c0_i32 = arith.constant 0 : i32
    %c0_i32_0 = arith.constant 0 : i32
    return %arg0, %c0_i32 : i32, i32
  }
  func.func @transform_4(%arg0: i32) -> (i32, i32) {
    %c0_i32 = arith.constant 0 : i32
    %c0_i32_0 = arith.constant 0 : i32
    %c0_i32_1 = arith.constant 0 : i32
    return %c0_i32, %c0_i32_0 : i32, i32
  }
  func.func @transform_5(%arg0: i32) -> (i32, i32) {
    %c0_i32 = arith.constant 0 : i32
    %c0_i32_0 = arith.constant 0 : i32
    %c0_i32_1 = arith.constant 0 : i32
    return %c0_i32, %c0_i32_0 : i32, i32
  }
  func.func @transform_6(%arg0: i32) -> (i32, i32) {
    %c0_i32 = arith.constant 0 : i32
    %c0_i32_0 = arith.constant 0 : i32
    %c0_i32_1 = arith.constant 0 : i32
    return %c0_i32, %c0_i32_0 : i32, i32
  }
  func.func @transform_7(%arg0: i32) -> (i32, i32) {
    %c0_i32 = arith.constant 0 : i32
    %c0_i32_0 = arith.constant 0 : i32
    %c0_i32_1 = arith.constant 0 : i32
    return %c0_i32, %c0_i32_0 : i32, i32
  }
  func.func @transform_8(%arg0: i32) -> (i32, i32) {
    %c0_i32 = arith.constant 0 : i32
    %c0_i32_0 = arith.constant 0 : i32
    %c0_i32_1 = arith.constant 0 : i32
    return %c0_i32, %c0_i32_0 : i32, i32
  }
  func.func @transform_9(%arg0: i32) -> (i32, i32) {
    %c0_i32 = arith.constant 0 : i32
    %c0_i32_0 = arith.constant 0 : i32
    return %arg0, %c0_i32 : i32, i32
  }
}

</mosaic_0001>

<sc_bundles>
// kernel: kernel.12.cloned.1.call-start
scs
__scs_entry_jumppad:
0x0: {  	(pc) =	sbr.rel $0x88, $3  }
0x1: {  	(tag) =	ssettag $0x0;
	lr =	simm.s32 $0x1  }
0x2: {  	[smem:$0x3F8F] =	sst lr;
	_ =	strace $0xD0000000  }
0x3: {  	_ = 	snop  }
0x4: {  	_ = 	snop  }
0x5: {  	_ = 	snop  }
0x6: {  	_ = 	snop  }
0x7: {  	_ = 	snop  }
__scs_overlays_trampoline_lowered:
0x8: {  	[smem:$0x3F9E] =	sst s0  }
0x9: {  	[smem:$0x3F9F] =	sst s1  }
0xa: {  	[smem:$0x3FA0] =	sst s2  }
0xb: {  	[smem:$0x3FA1] =	sst s3  }
0xc: {  	[smem:$0x3FA2] =	sst s4  }
0xd: {  	[smem:$0x3FA3] =	sst s5  }
0xe: {  	[smem:$0x3FA4] =	sst s6  }
0xf: {  	[smem:$0x3FA5] =	sst s7  }
0x10: {  	[smem:$0x3FA6] =	sst s8  }
0x11: {  	[smem:$0x3FA7] =	sst s9;
	s0 =	simm.s32 @!p0 $0x0  }
0x12: {  	s1 =	sld [smem:$0x3F8D];
	s0 =	simm.s32 @p0 $0x1  }
0x13: {  	[smem:$0x3FA8] =	sst s0;
	s0 =	simm.s32 @!p1 $0x0  }
0x14: {  	s2 =	sld [smem:$0x3F8C];
	s0 =	simm.s32 @p1 $0x1  }
0x15: {  	[smem:$0x3FA9] =	sst s0;
	s0 =	simm.s32 @!p2 $0x0  }
0x16: {  	s3 =	sld [smem:$0x3FDB];
	s0 =	simm.s32 @p2 $0x1  }
0x17: {  	s4 =	simm.s32 $0x1BF5;
	[smem:$0x3FAB] =	sst s0  }
0x18: {  	s0 =	sld [smem:$0x3F8E];
	_ =	swait.ge [sflag:s4], $0x0  }
0x19: {  	s7 =	sld [smem:$0x3F8F]  }
0x1a: {  	s8 =	sadd.s32 $0xFFFFE003, lr  }
0x1b: {  	s9 =	sadd.s32 $0xFFFFFEF7, lr;
	s5 =	simm.s32 $0xFFFFFFFF;
	p2 =	slt.u32 s8, $0xFFFFF086  }
0x1c: {  	p1 =	slt.u32 s9, $0xF7A;
	s5 =	simm.s32 @!p2 $0x0  }
0x1d: {  	s5 =	simm.s32 @p1 $0x1;
	p0 =	seq.s32 s7, s2  }
0x1e: {  	s7 =	smul.u32 @!p0 $0xF7A, s2;
	p2 =	seq.s32 @!p0 s5, $0x0  }
0x1f: {  	s9 =	smul.u32 $0xF7A, s1;
	s8 =	simm.s32 @!p0 $0x1BF5;
	p2 =	por !p2, p0  }
0x20: {  	[sflag:s8] =	ssyncset.s32 @!p0 $0xFFFFF086;
	s6 =	sadd.s32 @!p0 s3, s7;
	s7 =	simm.s32 @!p0 $0x108  }
0x21: {  	s3 =	sadd.s32 s3, s9;
	s6 =	sadd.s32 @!p0 $0x88, s6;
	s7 =	simm.s32 @p2 $0x1082  }
0x22: {  	[simem:s7], [sflag:s8] =	dma.local @!p0 [hbm:s6], $0xF7A  }
0x23: {  	s9 =	sor.u32 $0xD0000000, s2;
	s6 =	simm.s32 $0x108;
	_ =	swait.ge @!p0 [sflag:s8], $0x0  }
0x24: {  	s3 =	sadd.s32 $0x88, s3;
	s6 =	simm.s32 @!p1 $0x1082;
	[sflag:s4] =	ssyncset.s32 $0xFFFFF086  }
0x25: {  	[simem:s6], [sflag:s4] =	dma.local [hbm:s3], $0xF7A  }
0x26: {  	[smem:$0x3F8F] =	sst s1;
	(tag) =	ssettag s2;
	_ =	strace s9  }
0x27: {  	s1 =	sld [smem:$0x3F9F]  }
0x28: {  	s2 =	sld [smem:$0x3FA0]  }
0x29: {  	s4 =	sld [smem:$0x3FA2]  }
0x2a: {  	p0 =	seq.s32 s5, $0x0;
	s5 =	sld [smem:$0x3FA3]  }
0x2b: {  	s6 =	sld [smem:$0x3FA4]  }
0x2c: {  	s7 =	sld [smem:$0x3FA5]  }
0x2d: {  	s3 =	simm.s32 $0x108;
	s8 =	sld [smem:$0x3FA6]  }
0x2e: {  	s3 =	simm.s32 @!p0 $0x1082;
	s9 =	sld [smem:$0x3FA7]  }
0x2f: {  	lr =	sadd.s32 s0, s3;
	s0 =	sld [smem:$0x3F9E]  }
0x30: {  	s3 =	sld [smem:$0x3FA1]  }
0x31: {  	[smem:$0x3FAA] =	sst s10  }
0x32: {  	s10 =	sld [smem:$0x3FA8];
	_ =	sdelay $0x3  }
0x33: {  	p0 =	seq.s32 s10, $0x1;
	s10 =	sld [smem:$0x3FAA];
	_ =	sdelay $0x3  }
0x34: {  	[smem:$0x3FAA] =	sst s10  }
0x35: {  	s10 =	sld [smem:$0x3FA9];
	_ =	sdelay $0x3  }
0x36: {  	p1 =	seq.s32 s10, $0x1;
	s10 =	sld [smem:$0x3FAA];
	_ =	sdelay $0x3  }
0x37: {  	[smem:$0x3FAA] =	sst s10  }
0x38: {  	s10 =	sld [smem:$0x3FAB]  }
0x39: {  	_ = 	snop;
	(pc) =	sbr.ind lr, $3  }
0x3a: {  	_ = 	snop  }
0x3b: {  	_ = 	snop  }
0x3c: {  	p2 =	seq.s32 s10, $0x1;
	s10 =	sld [smem:$0x3FAA]  }
0x3d: {  	_ =	shalt  }
0x3e: {  	_ =	shalt  }
0x3f: {  	_ =	shalt  }
0x40: {  	_ =	shalt  }
0x41: {  	_ =	shalt  }
0x42: {  	_ =	shalt  }
0x43: {  	_ =	shalt  }
0x44: {  	_ =	shalt  }
0x45: {  	_ =	shalt  }
0x46: {  	_ =	shalt  }
0x47: {  	_ =	shalt  }
0x48: {  	_ =	shalt  }
0x49: {  	_ =	shalt  }
0x4a: {  	_ =	shalt  }
0x4b: {  	_ =	shalt  }
0x4c: {  	_ =	shalt  }
0x4d: {  	_ =	shalt  }
0x4e: {  	_ =	shalt  }
0x4f: {  	_ =	shalt  }
0x50: {  	_ =	shalt  }
0x51: {  	_ =	shalt  }
0x52: {  	_ =	shalt  }
0x53: {  	_ =	shalt  }
0x54: {  	_ =	shalt  }
0x55: {  	_ =	shalt  }
0x56: {  	_ =	shalt  }
0x57: {  	_ =	shalt  }
0x58: {  	_ =	shalt  }
0x59: {  	_ =	shalt  }
0x5a: {  	_ =	shalt  }
0x5b: {  	_ =	shalt  }
0x5c: {  	_ =	shalt  }
0x5d: {  	_ =	shalt  }
0x5e: {  	_ =	shalt  }
0x5f: {  	_ =	shalt  }
0x60: {  	_ =	shalt  }
0x61: {  	_ =	shalt  }
0x62: {  	_ =	shalt  }
0x63: {  	_ =	shalt  }
0x64: {  	_ =	shalt  }
0x65: {  	_ =	shalt  }
0x66: {  	_ =	shalt  }
0x67: {  	_ =	shalt  }
0x68: {  	_ =	shalt  }
0x69: {  	_ =	shalt  }
0x6a: {  	_ =	shalt  }
0x6b: {  	_ =	shalt  }
0x6c: {  	_ =	shalt  }
0x6d: {  	_ =	shalt  }
0x6e: {  	_ =	shalt  }
0x6f: {  	_ =	shalt  }
0x70: {  	_ =	shalt  }
0x71: {  	_ =	shalt  }
0x72: {  	_ =	shalt  }
0x73: {  	_ =	shalt  }
0x74: {  	_ =	shalt  }
0x75: {  	_ =	shalt  }
0x76: {  	_ =	shalt  }
0x77: {  	_ =	shalt  }
0x78: {  	_ =	shalt  }
0x79: {  	_ =	shalt  }
0x7a: {  	_ =	shalt  }
0x7b: {  	_ =	shalt  }
0x7c: {  	_ =	shalt  }
0x7d: {  	_ =	shalt  }
0x7e: {  	_ =	shalt  }
0x7f: {  	_ =	shalt  }
0x80: {  	_ =	shalt  }
0x81: {  	_ =	shalt  }
0x82: {  	_ =	shalt  }
0x83: {  	_ =	shalt  }
0x84: {  	_ =	shalt  }
0x85: {  	_ =	shalt  }
0x86: {  	_ =	shalt  }
0x87: {  	_ =	shalt  }
.Lfunc_end0:
.L_simem_size_0:
called_computation.1_lowered:
.L_overlay_start_0:
0x88: {  	s2 =	sld [smem:$0x3FD9]  }
0x89: {  	s3 =	sld [smem:$0x3FFE];
	_ =	sdelay $0x1  }
0x8a: {  	s1 =	srdreg.scid  }
0x8b: {  	s0 =	sand.u32 $0x1, s1  }
0x8c: {  	s17 =	sshll.u32 s0, $0xA;
	s2 =	sadd.s32 s3, s2  }
0x8d: {  	s2 =	sadd.s32 s2, s17  }
0x8e: {  	[smem:$0x3FB6] =	sst s2  }
0x8f: {  	_ = 	snop  }
0x90: {  	s2 =	sld [smem:$0x3FD0];
	(tm) =	ssettm $0x1  }
0x91: {  	s18 =	sld [smem:$0x3FFB];
	_ =	sdelay $0x3  }
0x92: {  	_ =	strace s18  }
0x93: {  	s3 =	sld [smem:$0x3FFC];
	_ =	sdelay $0x3  }
0x94: {  	_ =	strace s3  }
0x95: {  	s3 =	sld [smem:$0x3FFD];
	_ =	sdelay $0x3  }
0x96: {  	_ =	strace s3  }
0x97: {  	_ =	strace $0x8FFFFFFF  }
0x98: {  	s19 =	sld [smem:$0x3FDB];
	_ =	sdelay $0x1  }
0x99: {  	s4 =	simm.s32 $_scs_section_size  }
0x9a: {  	s5 =	simm.s32 $_size__tile_overlayer_lowered;
	s6 =	simm.s32 $_tile_overlayer_lowered  }
0x9b: {  	s22 =	simm.s32 $0x1BFF;
	s21 =	sshll.u32 s6, $0x1;
	s3 =	sadd.s32 s4, s19  }
0x9c: {  	s7 =	simm.s32 $0x0;
	s20 =	sshll.u32 s5, $0x1;
	s5 =	sadd.s32 s21, s3  }
0x9d: {  	[timem:s7], [sflag:s22] =	dma.local [hbm:s5], s20  }
0x9e: {  	_ =	swait.ge [sflag:s22], s20  }
0x9f: {  	s4 =	ssub.s32 $0x0, s20;
	[sflag:s22] =	ssyncset.done $0x0  }
0xa0: {  	[sflag:s22] =	ssyncadd.s32 s4;
	_ =	sdelay $0x1  }
0xa1: {  	s23 =	simm.s32 $0x1B8B  }
0xa2: {  	_ =	swait.ge [sflag:s23], $0x1  }
0xa3: {  	[sflag:s23] =	ssyncset.done $0x0  }
0xa4: {  	s25 =	simm.s32 $0x1B8E;
	s24 =	sld [smem:$0x3FFE];
	[sflag:s23] =	ssyncadd.s32 $0xFFFFFFFF  }
0xa5: {  	s26 =	simm.s32 $execute0_lowered;
	[smem:$0x3FD2] =	sst s25  }
0xa6: {  	s5 =	sshll.u32 s26, $0x1;
	_ =	strace $0x80000049;
	[dreg:$0x1] =	wrdreg $0xFFFFFFFF  }
0xa7: {  	s28 =	simm.s32 $_size_execute0_lowered;
	s3 =	sadd.s32 s3, s5;
	[dreg:$0x0] =	wrdreg $0x0  }
0xa8: {  	s5 =	sshll.u32 s28, $0x1;
	[dreg:$0x2] =	wrdreg s3  }
0xa9: {  	[dreg:$0x3] =	wrdreg s5  }
0xaa: {  	[dreg:$0x4] =	wrdreg $0xC0  }
0xab: {  	_ =	task [dreg:s7], $0x5FFFF  }
0xac: {  	[dreg:$0x1] =	wrdreg $0xFFFFFFFF  }
0xad: {  	[dreg:$0x0] =	wrdreg $0x60  }
0xae: {  	[dreg:$0x2] =	wrdreg s24  }
0xaf: {  	[dreg:$0x3] =	wrdreg s2  }
0xb0: {  	[dreg:$0x4] =	wrdreg $0x41000  }
0xb1: {  	[dreg:$0x5] =	wrdreg $0x9  }
0xb2: {  	_ =	task.clear_ibuf [dreg:s7], $0x6FFFF;
	_ =	strace $0x90000049  }
0xb3: {  	s29 =	simm.s32 $0x9;
	_ =	strace $0x8000004B  }
0xb4: {  	_ =	swait.ge [sflag:s29], $0x1  }
0xb5: {  	[sflag:s29] =	ssyncadd.s32 $0xFFFFFFFF  }
0xb6: {  	_ =	strace $0x9000004B  }
0xb7: {  	_ =	sfence  }
0xb8: {  	s30 =	sld [smem:$0x0];
	_ =	sdelay $0x2  }
0xb9: {  	s31 =	sshll.u32 s1, $0xD;
	s1 =	sshrl.u32 s1, $0x2  }
0xba: {  	s3 =	sand.u32 $0x4000, s31;
	s1 =	sadd.s32 s1, s30  }
0xbb: {  	s0 =	sor.u32 s3, s0;
	s1 =	sshll.u32 s1, $0x11  }
0xbc: {  	s0 =	sor.u32 s1, s0  }
0xbd: {  	s0 =	sadd.s32 $0x8F2B, s0  }
0xbe: {  	[sflag:s0] =	ssyncadd.remote.s32 $0x1  }
0xbf: {  	_ =	sfence.sel $0xFFFF  }
0xc0: {  	[dreg:$0x0] =	wrdreg $0xFFFFFFFF;
	(pc) =	sbr.abs _section_cstart, $3  }
0xc1: {  	[dreg:$0x1] =	wrdreg $0xFFFFFFFF  }
0xc2: {  	_ =	task.clear_ibuf [dreg:s7], $0x2FFFF;
	_ =	strace $0x9FFFFFFF  }
0xc3: {  	(tm) =	ssettm $0x7FFFFFFF  }
tec
execute0_lowered:
.L_overlay_start_1:
0x0: {  	(tag) =	ssettag $0x1  }
0x1: {  	s6 =	rddreg [dreg:$0x0]  }
0x2: {  	s13 =	rddreg [dreg:$0x1];
	s0 =	srdreg.scid  }
0x3: {  	s2 =	rddreg [dreg:$0x2];
	s1 =	stileid.u32;
	s3 =	simm.s32 $0x0  }
0x4: {  	s17 =	simm.s32 $0x100;
	s18 =	simm.s32 $0x1;
	s5 =	smul.u32 $0x2800, s1  }
0x5: {  	s7 =	sand.u32 $0x1, s0;
	s0 =	rddreg [dreg:$0x3];
	s8 =	smul.u32 $0x14000, s1  }
0x6: {  	s19 =	simm.s32 $0x0;
	[smem:$0x7FF] =	sst s3;
	s28 =	smul.u32 $0x50000, s1  }
0x7: {  	s31 =	sshll.u32 s1, $0x6;
	s4 =	smul.u32 $0x28000, s7;
	_ =	strace $0x8000004A  }
0x8: {  	s10 =	smul.u32 $0x140000, s7;
	s7 =	ssub.s32 $0x2, s7;
	s26 =	sshrl.u32 s8, $0x3  }
0x9: {  	s29 =	sshrl.u32 s7, $0x1;
	s30 =	sshrl.u32 s28, $0x2;
	s9 =	sadd.s32 s5, s4  }
0xa: {  	s4 =	sadd.s32 $0x4C00, s6;
	s5 =	sadd.s32 $0x4AC00, s6;
	s8 =	sadd.s32 s8, s10  }
0xb: {  	s15 =	ssub.s32 s7, s29;
	s16 =	sadd.s32 s30, s2;
	s7 =	sor.u32 $0x1C02, s31  }
0xc: {  	s14 =	sshrl.u32 s9, $0x3;
	s8 =	sshrl.u32 s8, $0x3;
	s9 =	sadd.s32 s26, s6  }
0xd: {  	s10 =	smax.u32 s15, $0x1;
	s15 =	simm.s32 $0x2;
	s12 =	sadd.s32 s14, s6  }
0xe: {  	s11 =	sadd.s32 s8, s6;
	s6 =	sadd.s32 $0x4D200, s9;
	s13 =	sadd.s32 s14, s13  }
0xf: {  	s14 =	sshrl.u32 s16, $0x3;
	s16 =	simm.s32 $0x80;
	s8 =	sadd.s32 $0x127200, s11  }
0x10: {  	s9 =	sadd.s32 $0xD7200, s11;
	s11 =	sadd.s32 $0x40C00, s12;
	s12 =	sadd.s32 $0xCD200, s12  }
.LBB2_1:
0x11: {  	[spmem:s14], [sflag:s7] =	dma.local [hbm:s6], $0x2800  }
0x12: {  	_ =	swait.ge [sflag:s15], $0x2800  }
0x13: {  	[sflag:s15] =	ssyncset.done $0x0  }
0x14: {  	[sflag:s15] =	ssyncadd.s32 $0xFFFFD800  }
0x15: {  	s20 =	sadd.s32 $0x0, s12;
	[bflag:$0x0] =	sbarrier.arrive $0xFFFF  }
0x16: {  	[tilespmem:s3], [sflag:$0x2] =	stream.linear.gather [hbm4b:s20+s3], $0x80, $0x38;
	[tilespmem:$0x18100] =	vst v63  }
0x17: {  	_ =	swait.ge [sflag:s15], $0x80  }
0x18: {  	[sflag:s15] =	ssyncset.done $0x0  }
0x19: {  	[sflag:s15] =	ssyncadd.s32 $0xFFFFFF80  }
0x1a: {  	[tilespmem:s17], [sflag:$0x1] =	stream.indirect.gather [hbm4b:s5+s16], $0x80, s3, s16, $0xb8;
	[tilespmem:$0x18100] =	vst v63  }
0x1b: {  	_ =	swait.ge [sflag:s18], $0x4000  }
0x1c: {  	[sflag:s18] =	ssyncset.done $0x0  }
0x1d: {  	s31 =	sadd.s32 $0x0, s11;
	[sflag:s18] =	ssyncadd.s32 $0xFFFFC000  }
0x1e: {  	[tilespmem:s16], [sflag:$0x2] =	stream.linear.gather [hbm4b:s31+s3], $0x80, $0x38;
	[tilespmem:$0x18100] =	vst v63  }
0x1f: {  	_ =	swait.ge [sflag:s15], $0x80  }
0x20: {  	[sflag:s15] =	ssyncset.done $0x0  }
0x21: {  	[sflag:s15] =	ssyncadd.s32 $0xFFFFFF80  }
0x22: {  	[spmem:s2] =	stream.indirect.scatter.add.f32 [tilespmem:s17], [sflag:$0x2], $0x80, s16, s16, $0xb8;
	[tilespmem:$0x18100] =	vst v63  }
0x23: {  	_ =	swait.ge [sflag:s15], $0x4000  }
0x24: {  	s21 =	simm.s32 $0x20;
	s20 =	simm.s32 $0x10;
	[sflag:s15] =	ssyncset.done $0x0  }
.LBB2_2:
0x25: {  	s22 =	sadd.s32 s20, s12  }
0x26: {  	[sflag:s15] =	ssyncadd.s32 $0xFFFFC000;
	s23 =	smov.u32 s21;
	s24 =	sadd.s32 $0x10, s21  }
0x27: {  	[tilespmem:s3], [sflag:$0x2] =	stream.linear.gather [hbm4b:s22+s3], $0x80, $0x38;
	[tilespmem:$0x18100] =	vst v63  }
0x28: {  	p0 =	sne.s32 s21, $0x4F0;
	_ =	swait.ge [sflag:s15], $0x80  }
0x29: {  	[sflag:s15] =	ssyncset.done $0x0  }
0x2a: {  	[sflag:s15] =	ssyncadd.s32 $0xFFFFFF80  }
0x2b: {  	[tilespmem:s17], [sflag:$0x1] =	stream.indirect.gather [hbm4b:s5+s16], $0x80, s3, s16, $0xb8;
	[tilespmem:$0x18100] =	vst v63  }
0x2c: {  	_ =	swait.ge [sflag:s18], $0x4000  }
0x2d: {  	[sflag:s18] =	ssyncset.done $0x0  }
0x2e: {  	s21 =	sadd.s32 s20, s11;
	s20 =	smov.u32 s23;
	[sflag:s18] =	ssyncadd.s32 $0xFFFFC000  }
0x2f: {  	[tilespmem:s16], [sflag:$0x2] =	stream.linear.gather [hbm4b:s21+s3], $0x80, $0x38;
	[tilespmem:$0x18100] =	vst v63  }
0x30: {  	_ =	swait.ge [sflag:s15], $0x80  }
.Ltmp0:
0x31: {  	[sflag:s15] =	ssyncset.done $0x0;
	(pc) =	sbr.rel @p0 .LBB2_2-.Ltmp0, $4  }
0x32: {  	[sflag:s15] =	ssyncadd.s32 $0xFFFFFF80  }
0x33: {  	[spmem:s2] =	stream.indirect.scatter.add.f32 [tilespmem:s17], [sflag:$0x2], $0x80, s16, s16, $0xb8;
	[tilespmem:$0x18100] =	vst v63  }
0x34: {  	_ =	swait.ge [sflag:s15], $0x4000  }
0x35: {  	s21 =	smov.u32 s24;
	[sflag:s15] =	ssyncset.done $0x0  }
0x36: {  	s21 =	sadd.s32 s20, s12;
	[sflag:s15] =	ssyncadd.s32 $0xFFFFC000  }
0x37: {  	[tilespmem:s3], [sflag:$0x2] =	stream.linear.gather [hbm4b:s21+s3], $0x80, $0x38;
	[tilespmem:$0x18100] =	vst v63  }
0x38: {  	_ =	swait.ge [sflag:s15], $0x80  }
0x39: {  	[sflag:s15] =	ssyncset.done $0x0  }
0x3a: {  	[sflag:s15] =	ssyncadd.s32 $0xFFFFFF80  }
0x3b: {  	[tilespmem:s17], [sflag:$0x1] =	stream.indirect.gather [hbm4b:s5+s16], $0x80, s3, s16, $0xb8;
	[tilespmem:$0x18100] =	vst v63  }
0x3c: {  	_ =	swait.ge [sflag:s18], $0x4000  }
0x3d: {  	[sflag:s18] =	ssyncset.done $0x0  }
0x3e: {  	s29 =	sadd.s32 s20, s11;
	[sflag:s18] =	ssyncadd.s32 $0xFFFFC000  }
0x3f: {  	[tilespmem:s16], [sflag:$0x2] =	stream.linear.gather [hbm4b:s29+s3], $0x80, $0x38;
	[tilespmem:$0x18100] =	vst v63  }
0x40: {  	_ =	swait.ge [sflag:s15], $0x80  }
0x41: {  	[sflag:s15] =	ssyncset.done $0x0  }
0x42: {  	[sflag:s15] =	ssyncadd.s32 $0xFFFFFF80  }
0x43: {  	[spmem:s2] =	stream.indirect.scatter.add.f32 [tilespmem:s17], [sflag:$0x2], $0x80, s16, s16, $0xb8;
	[tilespmem:$0x18100] =	vst v63  }
0x44: {  	_ =	swait.ge [sflag:s15], $0x4000  }
0x45: {  	[sflag:s15] =	ssyncset.done $0x0  }
0x46: {  	[sflag:s15] =	ssyncadd.s32 $0xFFFFC000  }
0x47: {  	[bflag:$0x0] =	sbarrier.arrive $0xFFFF  }
0x48: {  	[hbm:s8], [sflag:s7] =	dma.local [spmem:s14], $0x2800  }
0x49: {  	_ =	swait.ge [sflag:s15], $0x2800  }
0x4a: {  	[sflag:s15] =	ssyncset.done $0x0  }
0x4b: {  	[sflag:s15] =	ssyncadd.s32 $0xFFFFD800  }
0x4c: {  	s30 =	sadd.s32 $0x0, s13;
	[bflag:$0x0] =	sbarrier.arrive $0xFFFF  }
0x4d: {  	[tilespmem:s3], [sflag:$0x2] =	stream.linear.gather [hbm4b:s30+s3], $0x80, $0x38;
	[tilespmem:$0x18100] =	vst v63  }
0x4e: {  	_ =	swait.ge [sflag:s15], $0x80  }
0x4f: {  	[sflag:s15] =	ssyncset.done $0x0  }
0x50: {  	[sflag:s15] =	ssyncadd.s32 $0xFFFFFF80  }
0x51: {  	[tilespmem:s17], [sflag:$0x1] =	stream.indirect.gather [hbm4b:s4+s16], $0x80, s3, s16, $0xb8;
	[tilespmem:$0x18100] =	vst v63  }
0x52: {  	_ =	swait.ge [sflag:s18], $0x4000  }
0x53: {  	[sflag:s18] =	ssyncset.done $0x0  }
0x54: {  	s31 =	sadd.s32 $0x0, s11;
	[sflag:s18] =	ssyncadd.s32 $0xFFFFC000  }
0x55: {  	[tilespmem:s16], [sflag:$0x2] =	stream.linear.gather [hbm4b:s31+s3], $0x80, $0x38;
	[tilespmem:$0x18100] =	vst v63  }
0x56: {  	_ =	swait.ge [sflag:s15], $0x80  }
0x57: {  	[sflag:s15] =	ssyncset.done $0x0  }
0x58: {  	[sflag:s15] =	ssyncadd.s32 $0xFFFFFF80  }
0x59: {  	[spmem:s2] =	stream.indirect.scatter.add.f32 [tilespmem:s17], [sflag:$0x2], $0x80, s16, s16, $0xb8;
	[tilespmem:$0x18100] =	vst v63  }
0x5a: {  	_ =	swait.ge [sflag:s15], $0x4000  }
0x5b: {  	s20 =	simm.s32 $0x10;
	s21 =	simm.s32 $0x20;
	[sflag:s15] =	ssyncset.done $0x0  }
.LBB2_4:
0x5c: {  	s22 =	sadd.s32 s20, s13  }
0x5d: {  	[sflag:s15] =	ssyncadd.s32 $0xFFFFC000;
	s23 =	smov.u32 s21;
	s24 =	sadd.s32 $0x10, s21  }
0x5e: {  	[tilespmem:s3], [sflag:$0x2] =	stream.linear.gather [hbm4b:s22+s3], $0x80, $0x38;
	[tilespmem:$0x18100] =	vst v63  }
0x5f: {  	p0 =	sne.s32 s21, $0x4F0;
	_ =	swait.ge [sflag:s15], $0x80  }
0x60: {  	[sflag:s15] =	ssyncset.done $0x0  }
0x61: {  	[sflag:s15] =	ssyncadd.s32 $0xFFFFFF80  }
0x62: {  	[tilespmem:s17], [sflag:$0x1] =	stream.indirect.gather [hbm4b:s4+s16], $0x80, s3, s16, $0xb8;
	[tilespmem:$0x18100] =	vst v63  }
0x63: {  	_ =	swait.ge [sflag:s18], $0x4000  }
0x64: {  	[sflag:s18] =	ssyncset.done $0x0  }
0x65: {  	s21 =	sadd.s32 s20, s11;
	s20 =	smov.u32 s23;
	[sflag:s18] =	ssyncadd.s32 $0xFFFFC000  }
0x66: {  	[tilespmem:s16], [sflag:$0x2] =	stream.linear.gather [hbm4b:s21+s3], $0x80, $0x38;
	[tilespmem:$0x18100] =	vst v63  }
0x67: {  	_ =	swait.ge [sflag:s15], $0x80  }
.Ltmp1:
0x68: {  	[sflag:s15] =	ssyncset.done $0x0;
	(pc) =	sbr.rel @p0 .LBB2_4-.Ltmp1, $4  }
0x69: {  	[sflag:s15] =	ssyncadd.s32 $0xFFFFFF80  }
0x6a: {  	[spmem:s2] =	stream.indirect.scatter.add.f32 [tilespmem:s17], [sflag:$0x2], $0x80, s16, s16, $0xb8;
	[tilespmem:$0x18100] =	vst v63  }
0x6b: {  	_ =	swait.ge [sflag:s15], $0x4000  }
0x6c: {  	s21 =	smov.u32 s24;
	[sflag:s15] =	ssyncset.done $0x0  }
0x6d: {  	s21 =	sadd.s32 s20, s13;
	[sflag:s15] =	ssyncadd.s32 $0xFFFFC000  }
0x6e: {  	[tilespmem:s3], [sflag:$0x2] =	stream.linear.gather [hbm4b:s21+s3], $0x80, $0x38;
	[tilespmem:$0x18100] =	vst v63  }
0x6f: {  	_ =	swait.ge [sflag:s15], $0x80  }
0x70: {  	[sflag:s15] =	ssyncset.done $0x0  }
0x71: {  	[sflag:s15] =	ssyncadd.s32 $0xFFFFFF80  }
0x72: {  	[tilespmem:s17], [sflag:$0x1] =	stream.indirect.gather [hbm4b:s4+s16], $0x80, s3, s16, $0xb8;
	[tilespmem:$0x18100] =	vst v63  }
0x73: {  	_ =	swait.ge [sflag:s18], $0x4000  }
0x74: {  	[sflag:s18] =	ssyncset.done $0x0  }
0x75: {  	s31 =	sadd.s32 s20, s11;
	[sflag:s18] =	ssyncadd.s32 $0xFFFFC000  }
0x76: {  	[tilespmem:s16], [sflag:$0x2] =	stream.linear.gather [hbm4b:s31+s3], $0x80, $0x38;
	[tilespmem:$0x18100] =	vst v63  }
0x77: {  	_ =	swait.ge [sflag:s15], $0x80  }
0x78: {  	[sflag:s15] =	ssyncset.done $0x0  }
0x79: {  	[sflag:s15] =	ssyncadd.s32 $0xFFFFFF80  }
0x7a: {  	[spmem:s2] =	stream.indirect.scatter.add.f32 [tilespmem:s17], [sflag:$0x2], $0x80, s16, s16, $0xb8;
	[tilespmem:$0x18100] =	vst v63  }
0x7b: {  	_ =	swait.ge [sflag:s15], $0x4000  }
0x7c: {  	s19 =	sadd.s32 $0x1, s19;
	[sflag:s15] =	ssyncset.done $0x0  }
0x7d: {  	p0 =	sne.s32 s19, s10;
	[sflag:s15] =	ssyncadd.s32 $0xFFFFC000  }
.Ltmp2:
0x7e: {  	[bflag:$0x0] =	sbarrier.arrive $0xFFFF;
	(pc) =	sbr.rel @p0 .LBB2_1-.Ltmp2, $4  }
0x7f: {  	[hbm:s9], [sflag:s7] =	dma.local [spmem:s14], $0x2800  }
0x80: {  	_ =	swait.ge [sflag:s15], $0x2800  }
0x81: {  	[sflag:s15] =	ssyncset.done $0x0  }
0x82: {  	[sflag:s15] =	ssyncadd.s32 $0xFFFFD800  }
0x83: {  	_ =	sfence.sel $0x180000  }
0x84: {  	[bflag:$0x0] =	sbarrier.arrive $0xFFFF  }
0x85: {  	p0 =	sne.s32 s1, $0x0;
	_ =	strace $0x9000004A  }
0x86: {  	s0 =	sadd.s32 @!p0 $0x100000, s0;
	[bflag:$0x2] =	sbarrier.arrive $0xFFFF  }
0x87: {  	[sflag:s0] =	ssyncadd.tile.s32 @!p0 $0x1;
	_ =	shalt  }
.Lfunc_end2:
_tile_overlayer_lowered:
.L_overlay_start_2:
0x88: {  	(tag) =	ssettag $0x2  }
0x89: {  	s0 =	rddreg [dreg:$0x0];
	s2 =	stileid.u32  }
0x8a: {  	s1 =	rddreg [dreg:$0x1];
	p0 =	sne.s32 s2, $0x0  }
0x8b: {  	s3 =	rddreg [dreg:$0x2];
	[bflag:$0x3] =	sbarrier.arrive $0xFFFF;
	s2 =	simm.s32 @!p0 $0x1C02  }
0x8c: {  	[timem:s3], [sflag:s2] =	dma.local @!p0 [hbm:s0], s1  }
0x8d: {  	s0 =	simm.s32 @!p0 $0x2  }
0x8e: {  	_ =	swait.ge @!p0 [sflag:s0], s1  }
0x8f: {  	s1 =	ssub.s32 @!p0 $0x0, s1;
	[sflag:s0] =	ssyncset.done @!p0 $0x0  }
0x90: {  	[sflag:s0] =	ssyncadd.s32 @!p0 s1  }
0x91: {  	[bflag:$0x3] =	sbarrier.arrive $0xFFFF  }
0x92: {  	_ =	shalt  }

// kernel: kernel.15.cloned.1.call-start
scs
__scs_entry_jumppad:
0x0: {  	(pc) =	sbr.rel $0x88, $3  }
0x1: {  	(tag) =	ssettag $0x0;
	lr =	simm.s32 $0x1  }
0x2: {  	[smem:$0x3F8F] =	sst lr;
	_ =	strace $0xD0000000  }
0x3: {  	_ = 	snop  }
0x4: {  	_ = 	snop  }
0x5: {  	_ = 	snop  }
0x6: {  	_ = 	snop  }
0x7: {  	_ = 	snop  }
__scs_overlays_trampoline_lowered:
0x8: {  	[smem:$0x3F9E] =	sst s0  }
0x9: {  	[smem:$0x3F9F] =	sst s1  }
0xa: {  	[smem:$0x3FA0] =	sst s2  }
0xb: {  	[smem:$0x3FA1] =	sst s3  }
0xc: {  	[smem:$0x3FA2] =	sst s4  }
0xd: {  	[smem:$0x3FA3] =	sst s5  }
0xe: {  	[smem:$0x3FA4] =	sst s6  }
0xf: {  	[smem:$0x3FA5] =	sst s7  }
0x10: {  	[smem:$0x3FA6] =	sst s8  }
0x11: {  	[smem:$0x3FA7] =	sst s9;
	s0 =	simm.s32 @!p0 $0x0  }
0x12: {  	s1 =	sld [smem:$0x3F8D];
	s0 =	simm.s32 @p0 $0x1  }
0x13: {  	[smem:$0x3FA8] =	sst s0;
	s0 =	simm.s32 @!p1 $0x0  }
0x14: {  	s2 =	sld [smem:$0x3F8C];
	s0 =	simm.s32 @p1 $0x1  }
0x15: {  	[smem:$0x3FA9] =	sst s0;
	s0 =	simm.s32 @!p2 $0x0  }
0x16: {  	s3 =	sld [smem:$0x3FDB];
	s0 =	simm.s32 @p2 $0x1  }
0x17: {  	s4 =	simm.s32 $0x1BF5;
	[smem:$0x3FAB] =	sst s0  }
0x18: {  	s0 =	sld [smem:$0x3F8E];
	_ =	swait.ge [sflag:s4], $0x0  }
0x19: {  	s7 =	sld [smem:$0x3F8F]  }
0x1a: {  	s8 =	sadd.s32 $0xFFFFE003, lr  }
0x1b: {  	s9 =	sadd.s32 $0xFFFFFEF7, lr;
	s5 =	simm.s32 $0xFFFFFFFF;
	p2 =	slt.u32 s8, $0xFFFFF086  }
0x1c: {  	p1 =	slt.u32 s9, $0xF7A;
	s5 =	simm.s32 @!p2 $0x0  }
0x1d: {  	s5 =	simm.s32 @p1 $0x1;
	p0 =	seq.s32 s7, s2  }
0x1e: {  	s7 =	smul.u32 @!p0 $0xF7A, s2;
	p2 =	seq.s32 @!p0 s5, $0x0  }
0x1f: {  	s9 =	smul.u32 $0xF7A, s1;
	s8 =	simm.s32 @!p0 $0x1BF5;
	p2 =	por !p2, p0  }
0x20: {  	[sflag:s8] =	ssyncset.s32 @!p0 $0xFFFFF086;
	s6 =	sadd.s32 @!p0 s3, s7;
	s7 =	simm.s32 @!p0 $0x108  }
0x21: {  	s3 =	sadd.s32 s3, s9;
	s6 =	sadd.s32 @!p0 $0x88, s6;
	s7 =	simm.s32 @p2 $0x1082  }
0x22: {  	[simem:s7], [sflag:s8] =	dma.local @!p0 [hbm:s6], $0xF7A  }
0x23: {  	s9 =	sor.u32 $0xD0000000, s2;
	s6 =	simm.s32 $0x108;
	_ =	swait.ge @!p0 [sflag:s8], $0x0  }
0x24: {  	s3 =	sadd.s32 $0x88, s3;
	s6 =	simm.s32 @!p1 $0x1082;
	[sflag:s4] =	ssyncset.s32 $0xFFFFF086  }
0x25: {  	[simem:s6], [sflag:s4] =	dma.local [hbm:s3], $0xF7A  }
0x26: {  	[smem:$0x3F8F] =	sst s1;
	(tag) =	ssettag s2;
	_ =	strace s9  }
0x27: {  	s1 =	sld [smem:$0x3F9F]  }
0x28: {  	s2 =	sld [smem:$0x3FA0]  }
0x29: {  	s4 =	sld [smem:$0x3FA2]  }
0x2a: {  	p0 =	seq.s32 s5, $0x0;
	s5 =	sld [smem:$0x3FA3]  }
0x2b: {  	s6 =	sld [smem:$0x3FA4]  }
0x2c: {  	s7 =	sld [smem:$0x3FA5]  }
0x2d: {  	s3 =	simm.s32 $0x108;
	s8 =	sld [smem:$0x3FA6]  }
0x2e: {  	s3 =	simm.s32 @!p0 $0x1082;
	s9 =	sld [smem:$0x3FA7]  }
0x2f: {  	lr =	sadd.s32 s0, s3;
	s0 =	sld [smem:$0x3F9E]  }
0x30: {  	s3 =	sld [smem:$0x3FA1]  }
0x31: {  	[smem:$0x3FAA] =	sst s10  }
0x32: {  	s10 =	sld [smem:$0x3FA8];
	_ =	sdelay $0x3  }
0x33: {  	p0 =	seq.s32 s10, $0x1;
	s10 =	sld [smem:$0x3FAA];
	_ =	sdelay $0x3  }
0x34: {  	[smem:$0x3FAA] =	sst s10  }
0x35: {  	s10 =	sld [smem:$0x3FA9];
	_ =	sdelay $0x3  }
0x36: {  	p1 =	seq.s32 s10, $0x1;
	s10 =	sld [smem:$0x3FAA];
	_ =	sdelay $0x3  }
0x37: {  	[smem:$0x3FAA] =	sst s10  }
0x38: {  	s10 =	sld [smem:$0x3FAB]  }
0x39: {  	_ = 	snop;
	(pc) =	sbr.ind lr, $3  }
0x3a: {  	_ = 	snop  }
0x3b: {  	_ = 	snop  }
0x3c: {  	p2 =	seq.s32 s10, $0x1;
	s10 =	sld [smem:$0x3FAA]  }
0x3d: {  	_ =	shalt  }
0x3e: {  	_ =	shalt  }
0x3f: {  	_ =	shalt  }
0x40: {  	_ =	shalt  }
0x41: {  	_ =	shalt  }
0x42: {  	_ =	shalt  }
0x43: {  	_ =	shalt  }
0x44: {  	_ =	shalt  }
0x45: {  	_ =	shalt  }
0x46: {  	_ =	shalt  }
0x47: {  	_ =	shalt  }
0x48: {  	_ =	shalt  }
0x49: {  	_ =	shalt  }
0x4a: {  	_ =	shalt  }
0x4b: {  	_ =	shalt  }
0x4c: {  	_ =	shalt  }
0x4d: {  	_ =	shalt  }
0x4e: {  	_ =	shalt  }
0x4f: {  	_ =	shalt  }
0x50: {  	_ =	shalt  }
0x51: {  	_ =	shalt  }
0x52: {  	_ =	shalt  }
0x53: {  	_ =	shalt  }
0x54: {  	_ =	shalt  }
0x55: {  	_ =	shalt  }
0x56: {  	_ =	shalt  }
0x57: {  	_ =	shalt  }
0x58: {  	_ =	shalt  }
0x59: {  	_ =	shalt  }
0x5a: {  	_ =	shalt  }
0x5b: {  	_ =	shalt  }
0x5c: {  	_ =	shalt  }
0x5d: {  	_ =	shalt  }
0x5e: {  	_ =	shalt  }
0x5f: {  	_ =	shalt  }
0x60: {  	_ =	shalt  }
0x61: {  	_ =	shalt  }
0x62: {  	_ =	shalt  }
0x63: {  	_ =	shalt  }
0x64: {  	_ =	shalt  }
0x65: {  	_ =	shalt  }
0x66: {  	_ =	shalt  }
0x67: {  	_ =	shalt  }
0x68: {  	_ =	shalt  }
0x69: {  	_ =	shalt  }
0x6a: {  	_ =	shalt  }
0x6b: {  	_ =	shalt  }
0x6c: {  	_ =	shalt  }
0x6d: {  	_ =	shalt  }
0x6e: {  	_ =	shalt  }
0x6f: {  	_ =	shalt  }
0x70: {  	_ =	shalt  }
0x71: {  	_ =	shalt  }
0x72: {  	_ =	shalt  }
0x73: {  	_ =	shalt  }
0x74: {  	_ =	shalt  }
0x75: {  	_ =	shalt  }
0x76: {  	_ =	shalt  }
0x77: {  	_ =	shalt  }
0x78: {  	_ =	shalt  }
0x79: {  	_ =	shalt  }
0x7a: {  	_ =	shalt  }
0x7b: {  	_ =	shalt  }
0x7c: {  	_ =	shalt  }
0x7d: {  	_ =	shalt  }
0x7e: {  	_ =	shalt  }
0x7f: {  	_ =	shalt  }
0x80: {  	_ =	shalt  }
0x81: {  	_ =	shalt  }
0x82: {  	_ =	shalt  }
0x83: {  	_ =	shalt  }
0x84: {  	_ =	shalt  }
0x85: {  	_ =	shalt  }
0x86: {  	_ =	shalt  }
0x87: {  	_ =	shalt  }
.Lfunc_end0:
.L_simem_size_0:
called_computation.2_lowered:
.L_overlay_start_0:
0x88: {  	s2 =	sld [smem:$0x3FD9]  }
0x89: {  	s3 =	sld [smem:$0x3FFE];
	_ =	sdelay $0x1  }
0x8a: {  	s1 =	srdreg.scid  }
0x8b: {  	s0 =	sand.u32 $0x1, s1  }
0x8c: {  	s17 =	sshll.u32 s0, $0xA;
	s2 =	sadd.s32 s3, s2  }
0x8d: {  	s2 =	sadd.s32 s2, s17  }
0x8e: {  	[smem:$0x3FB6] =	sst s2  }
0x8f: {  	_ = 	snop  }
0x90: {  	s2 =	sld [smem:$0x3FD0];
	(tm) =	ssettm $0x1  }
0x91: {  	s18 =	sld [smem:$0x3FFB];
	_ =	sdelay $0x3  }
0x92: {  	_ =	strace s18  }
0x93: {  	s3 =	sld [smem:$0x3FFC];
	_ =	sdelay $0x3  }
0x94: {  	_ =	strace s3  }
0x95: {  	s3 =	sld [smem:$0x3FFD];
	_ =	sdelay $0x3  }
0x96: {  	_ =	strace s3  }
0x97: {  	_ =	strace $0x8FFFFFFF  }
0x98: {  	s19 =	sld [smem:$0x3FDB];
	_ =	sdelay $0x1  }
0x99: {  	s4 =	simm.s32 $_scs_section_size  }
0x9a: {  	s5 =	simm.s32 $_size__tile_overlayer_lowered;
	s6 =	simm.s32 $_tile_overlayer_lowered  }
0x9b: {  	s22 =	simm.s32 $0x1BFF;
	s21 =	sshll.u32 s6, $0x1;
	s3 =	sadd.s32 s4, s19  }
0x9c: {  	s7 =	simm.s32 $0x0;
	s20 =	sshll.u32 s5, $0x1;
	s5 =	sadd.s32 s21, s3  }
0x9d: {  	[timem:s7], [sflag:s22] =	dma.local [hbm:s5], s20  }
0x9e: {  	_ =	swait.ge [sflag:s22], s20  }
0x9f: {  	s4 =	ssub.s32 $0x0, s20;
	[sflag:s22] =	ssyncset.done $0x0  }
0xa0: {  	[sflag:s22] =	ssyncadd.s32 s4;
	_ =	sdelay $0x1  }
0xa1: {  	s23 =	simm.s32 $0x1B8B  }
0xa2: {  	_ =	swait.ge [sflag:s23], $0x1  }
0xa3: {  	[sflag:s23] =	ssyncset.done $0x0  }
0xa4: {  	s25 =	simm.s32 $0x1B8E;
	s24 =	sld [smem:$0x3FFE];
	[sflag:s23] =	ssyncadd.s32 $0xFFFFFFFF  }
0xa5: {  	s26 =	simm.s32 $execute0_lowered;
	[smem:$0x3FD2] =	sst s25  }
0xa6: {  	s5 =	sshll.u32 s26, $0x1;
	_ =	strace $0x8000004C;
	[dreg:$0x1] =	wrdreg $0xFFFFFFFF  }
0xa7: {  	s28 =	simm.s32 $_size_execute0_lowered;
	s3 =	sadd.s32 s3, s5;
	[dreg:$0x0] =	wrdreg $0x0  }
0xa8: {  	s5 =	sshll.u32 s28, $0x1;
	[dreg:$0x2] =	wrdreg s3  }
0xa9: {  	[dreg:$0x3] =	wrdreg s5  }
0xaa: {  	[dreg:$0x4] =	wrdreg $0xC0  }
0xab: {  	_ =	task [dreg:s7], $0x5FFFF  }
0xac: {  	[dreg:$0x1] =	wrdreg $0xFFFFFFFF  }
0xad: {  	[dreg:$0x0] =	wrdreg $0x60  }
0xae: {  	[dreg:$0x2] =	wrdreg s24  }
0xaf: {  	[dreg:$0x3] =	wrdreg s2  }
0xb0: {  	[dreg:$0x4] =	wrdreg $0x41000  }
0xb1: {  	[dreg:$0x5] =	wrdreg $0x9  }
0xb2: {  	_ =	task.clear_ibuf [dreg:s7], $0x6FFFF;
	_ =	strace $0x9000004C  }
0xb3: {  	s29 =	simm.s32 $0x9;
	_ =	strace $0x8000004E  }
0xb4: {  	_ =	swait.ge [sflag:s29], $0x1  }
0xb5: {  	[sflag:s29] =	ssyncadd.s32 $0xFFFFFFFF  }
0xb6: {  	_ =	strace $0x9000004E  }
0xb7: {  	_ =	sfence  }
0xb8: {  	s30 =	sld [smem:$0x0];
	_ =	sdelay $0x2  }
0xb9: {  	s31 =	sshll.u32 s1, $0xD;
	s1 =	sshrl.u32 s1, $0x2  }
0xba: {  	s3 =	sand.u32 $0x4000, s31;
	s1 =	sadd.s32 s1, s30  }
0xbb: {  	s0 =	sor.u32 s3, s0;
	s1 =	sshll.u32 s1, $0x11  }
0xbc: {  	s0 =	sor.u32 s1, s0  }
0xbd: {  	s0 =	sadd.s32 $0x8F2B, s0  }
0xbe: {  	[sflag:s0] =	ssyncadd.remote.s32 $0x1  }
0xbf: {  	_ =	sfence.sel $0xFFFF  }
0xc0: {  	[dreg:$0x0] =	wrdreg $0xFFFFFFFF;
	(pc) =	sbr.abs _section_cstart, $3  }
0xc1: {  	[dreg:$0x1] =	wrdreg $0xFFFFFFFF  }
0xc2: {  	_ =	task.clear_ibuf [dreg:s7], $0x2FFFF;
	_ =	strace $0x9FFFFFFF  }
0xc3: {  	(tm) =	ssettm $0x7FFFFFFF  }
tec
execute0_lowered:
.L_overlay_start_1:
0x0: {  	(tag) =	ssettag $0x1  }
0x1: {  	s5 =	rddreg [dreg:$0x0]  }
0x2: {  	s8 =	rddreg [dreg:$0x1]  }
0x3: {  	s1 =	rddreg [dreg:$0x2];
	s2 =	srdreg.scid  }
0x4: {  	s0 =	rddreg [dreg:$0x3];
	s3 =	simm.s32 $0x0;
	s6 =	sand.u32 $0x1, s2  }
0x5: {  	s14 =	simm.s32 $0x100;
	s2 =	stileid.u32;
	s7 =	smul.u32 $0x140000, s6  }
0x6: {  	s15 =	simm.s32 $0x1;
	s16 =	simm.s32 $0x0;
	s9 =	smul.u32 $0x14000, s2  }
0x7: {  	[smem:$0x7FF] =	sst s3;
	s4 =	sadd.s32 $0x4AC00, s5;
	s10 =	smul.u32 $0x5000, s6  }
0x8: {  	_ =	strace $0x8000004D;
	s6 =	ssub.s32 $0x2, s6;
	s11 =	smul.u32 $0x50000, s2  }
0x9: {  	s30 =	sshll.u32 s2, $0x6;
	s31 =	smul.u32 $0x500, s2;
	s28 =	sshrl.u32 s6, $0x1  }
0xa: {  	s7 =	sadd.s32 s9, s7;
	s12 =	sadd.s32 s10, s5;
	s9 =	ssub.s32 s6, s28  }
0xb: {  	s29 =	sshrl.u32 s11, $0x2;
	s6 =	sor.u32 $0x1C02, s30;
	s10 =	sadd.s32 s10, s8  }
0xc: {  	s7 =	sshrl.u32 s7, $0x3;
	s13 =	sadd.s32 s29, s1;
	s12 =	sadd.s32 s31, s12  }
0xd: {  	s8 =	smax.u32 s9, $0x1;
	s10 =	sadd.s32 s31, s10;
	s7 =	sadd.s32 s7, s5  }
0xe: {  	s9 =	sadd.s32 $0x40C00, s12;
	s11 =	sshrl.u32 s13, $0x3;
	s12 =	simm.s32 $0x2  }
0xf: {  	s13 =	simm.s32 $0x80;
	s5 =	sadd.s32 $0x127200, s7;
	s7 =	sadd.s32 $0xCD200, s7  }
.LBB2_1:
0x10: {  	[spmem:s11], [sflag:s6] =	dma.local [hbm:s5], $0x2800  }
0x11: {  	_ =	swait.ge [sflag:s12], $0x2800  }
0x12: {  	[sflag:s12] =	ssyncset.done $0x0  }
0x13: {  	[sflag:s12] =	ssyncadd.s32 $0xFFFFD800  }
0x14: {  	s17 =	sadd.s32 $0x0, s10;
	[bflag:$0x0] =	sbarrier.arrive $0xFFFF  }
0x15: {  	[tilespmem:s3], [sflag:$0x2] =	stream.linear.gather [hbm4b:s17+s3], $0x80, $0x38;
	[tilespmem:$0x18100] =	vst v63  }
0x16: {  	_ =	swait.ge [sflag:s12], $0x80  }
0x17: {  	[sflag:s12] =	ssyncset.done $0x0  }
0x18: {  	[sflag:s12] =	ssyncadd.s32 $0xFFFFFF80  }
0x19: {  	[tilespmem:s14], [sflag:$0x1] =	stream.indirect.gather [hbm4b:s4+s13], $0x80, s3, s13, $0xb8;
	[tilespmem:$0x18100] =	vst v63  }
0x1a: {  	_ =	swait.ge [sflag:s15], $0x4000  }
0x1b: {  	[sflag:s15] =	ssyncset.done $0x0  }
0x1c: {  	s31 =	sadd.s32 $0x0, s9;
	[sflag:s15] =	ssyncadd.s32 $0xFFFFC000  }
0x1d: {  	[tilespmem:s13], [sflag:$0x2] =	stream.linear.gather [hbm4b:s31+s3], $0x80, $0x38;
	[tilespmem:$0x18100] =	vst v63  }
0x1e: {  	_ =	swait.ge [sflag:s12], $0x80  }
0x1f: {  	[sflag:s12] =	ssyncset.done $0x0  }
0x20: {  	[sflag:s12] =	ssyncadd.s32 $0xFFFFFF80  }
0x21: {  	[spmem:s1] =	stream.indirect.scatter.add.f32 [tilespmem:s14], [sflag:$0x2], $0x80, s13, s13, $0xb8;
	[tilespmem:$0x18100] =	vst v63  }
0x22: {  	_ =	swait.ge [sflag:s12], $0x4000  }
0x23: {  	s18 =	simm.s32 $0x20;
	s17 =	simm.s32 $0x10;
	[sflag:s12] =	ssyncset.done $0x0  }
.LBB2_2:
0x24: {  	s19 =	sadd.s32 s17, s10  }
0x25: {  	[sflag:s12] =	ssyncadd.s32 $0xFFFFC000;
	s20 =	smov.u32 s18;
	s21 =	sadd.s32 $0x10, s18  }
0x26: {  	[tilespmem:s3], [sflag:$0x2] =	stream.linear.gather [hbm4b:s19+s3], $0x80, $0x38;
	[tilespmem:$0x18100] =	vst v63  }
0x27: {  	p0 =	sne.s32 s18, $0x4F0;
	_ =	swait.ge [sflag:s12], $0x80  }
0x28: {  	[sflag:s12] =	ssyncset.done $0x0  }
0x29: {  	[sflag:s12] =	ssyncadd.s32 $0xFFFFFF80  }
0x2a: {  	[tilespmem:s14], [sflag:$0x1] =	stream.indirect.gather [hbm4b:s4+s13], $0x80, s3, s13, $0xb8;
	[tilespmem:$0x18100] =	vst v63  }
0x2b: {  	_ =	swait.ge [sflag:s15], $0x4000  }
0x2c: {  	[sflag:s15] =	ssyncset.done $0x0  }
0x2d: {  	s18 =	sadd.s32 s17, s9;
	s17 =	smov.u32 s20;
	[sflag:s15] =	ssyncadd.s32 $0xFFFFC000  }
0x2e: {  	[tilespmem:s13], [sflag:$0x2] =	stream.linear.gather [hbm4b:s18+s3], $0x80, $0x38;
	[tilespmem:$0x18100] =	vst v63  }
0x2f: {  	_ =	swait.ge [sflag:s12], $0x80  }
.Ltmp0:
0x30: {  	[sflag:s12] =	ssyncset.done $0x0;
	(pc) =	sbr.rel @p0 .LBB2_2-.Ltmp0, $4  }
0x31: {  	[sflag:s12] =	ssyncadd.s32 $0xFFFFFF80  }
0x32: {  	[spmem:s1] =	stream.indirect.scatter.add.f32 [tilespmem:s14], [sflag:$0x2], $0x80, s13, s13, $0xb8;
	[tilespmem:$0x18100] =	vst v63  }
0x33: {  	_ =	swait.ge [sflag:s12], $0x4000  }
0x34: {  	s18 =	smov.u32 s21;
	[sflag:s12] =	ssyncset.done $0x0  }
0x35: {  	s18 =	sadd.s32 s17, s10;
	[sflag:s12] =	ssyncadd.s32 $0xFFFFC000  }
0x36: {  	[tilespmem:s3], [sflag:$0x2] =	stream.linear.gather [hbm4b:s18+s3], $0x80, $0x38;
	[tilespmem:$0x18100] =	vst v63  }
0x37: {  	_ =	swait.ge [sflag:s12], $0x80  }
0x38: {  	[sflag:s12] =	ssyncset.done $0x0  }
0x39: {  	[sflag:s12] =	ssyncadd.s32 $0xFFFFFF80  }
0x3a: {  	[tilespmem:s14], [sflag:$0x1] =	stream.indirect.gather [hbm4b:s4+s13], $0x80, s3, s13, $0xb8;
	[tilespmem:$0x18100] =	vst v63  }
0x3b: {  	_ =	swait.ge [sflag:s15], $0x4000  }
0x3c: {  	[sflag:s15] =	ssyncset.done $0x0  }
0x3d: {  	s31 =	sadd.s32 s17, s9;
	[sflag:s15] =	ssyncadd.s32 $0xFFFFC000  }
0x3e: {  	[tilespmem:s13], [sflag:$0x2] =	stream.linear.gather [hbm4b:s31+s3], $0x80, $0x38;
	[tilespmem:$0x18100] =	vst v63  }
0x3f: {  	_ =	swait.ge [sflag:s12], $0x80  }
0x40: {  	[sflag:s12] =	ssyncset.done $0x0  }
0x41: {  	[sflag:s12] =	ssyncadd.s32 $0xFFFFFF80  }
0x42: {  	[spmem:s1] =	stream.indirect.scatter.add.f32 [tilespmem:s14], [sflag:$0x2], $0x80, s13, s13, $0xb8;
	[tilespmem:$0x18100] =	vst v63  }
0x43: {  	_ =	swait.ge [sflag:s12], $0x4000  }
0x44: {  	s16 =	sadd.s32 $0x1, s16;
	[sflag:s12] =	ssyncset.done $0x0  }
0x45: {  	p0 =	sne.s32 s16, s8;
	[sflag:s12] =	ssyncadd.s32 $0xFFFFC000  }
.Ltmp1:
0x46: {  	[bflag:$0x0] =	sbarrier.arrive $0xFFFF;
	(pc) =	sbr.rel @p0 .LBB2_1-.Ltmp1, $4  }
0x47: {  	[hbm:s7], [sflag:s6] =	dma.local [spmem:s11], $0x2800  }
0x48: {  	_ =	swait.ge [sflag:s12], $0x2800  }
0x49: {  	[sflag:s12] =	ssyncset.done $0x0  }
0x4a: {  	[sflag:s12] =	ssyncadd.s32 $0xFFFFD800  }
0x4b: {  	_ =	sfence.sel $0x180000  }
0x4c: {  	[bflag:$0x0] =	sbarrier.arrive $0xFFFF  }
0x4d: {  	p0 =	sne.s32 s2, $0x0;
	_ =	strace $0x9000004D  }
0x4e: {  	s0 =	sadd.s32 @!p0 $0x100000, s0;
	[bflag:$0x2] =	sbarrier.arrive $0xFFFF  }
0x4f: {  	[sflag:s0] =	ssyncadd.tile.s32 @!p0 $0x1;
	_ =	shalt  }
.Lfunc_end2:
_tile_overlayer_lowered:
.L_overlay_start_2:
0x50: {  	(tag) =	ssettag $0x2  }
0x51: {  	s0 =	rddreg [dreg:$0x0];
	s2 =	stileid.u32  }
0x52: {  	s1 =	rddreg [dreg:$0x1];
	p0 =	sne.s32 s2, $0x0  }
0x53: {  	s3 =	rddreg [dreg:$0x2];
	[bflag:$0x3] =	sbarrier.arrive $0xFFFF;
	s2 =	simm.s32 @!p0 $0x1C02  }
0x54: {  	[timem:s3], [sflag:s2] =	dma.local @!p0 [hbm:s0], s1  }
0x55: {  	s0 =	simm.s32 @!p0 $0x2  }
0x56: {  	_ =	swait.ge @!p0 [sflag:s0], s1  }
0x57: {  	s1 =	ssub.s32 @!p0 $0x0, s1;
	[sflag:s0] =	ssyncset.done @!p0 $0x0  }
0x58: {  	[sflag:s0] =	ssyncadd.s32 @!p0 s1  }
0x59: {  	[bflag:$0x3] =	sbarrier.arrive $0xFFFF  }
0x5a: {  	_ =	shalt  }

// kernel: kernel.9.cloned.1.call-start
scs
__scs_entry_jumppad:
0x0: {  	(pc) =	sbr.rel $0x88, $3  }
0x1: {  	(tag) =	ssettag $0x0;
	lr =	simm.s32 $0x1  }
0x2: {  	[smem:$0x3F8F] =	sst lr;
	_ =	strace $0xD0000000  }
0x3: {  	_ = 	snop  }
0x4: {  	_ = 	snop  }
0x5: {  	_ = 	snop  }
0x6: {  	_ = 	snop  }
0x7: {  	_ = 	snop  }
__scs_overlays_trampoline_lowered:
0x8: {  	[smem:$0x3F9E] =	sst s0  }
0x9: {  	[smem:$0x3F9F] =	sst s1  }
0xa: {  	[smem:$0x3FA0] =	sst s2  }
0xb: {  	[smem:$0x3FA1] =	sst s3  }
0xc: {  	[smem:$0x3FA2] =	sst s4  }
0xd: {  	[smem:$0x3FA3] =	sst s5  }
0xe: {  	[smem:$0x3FA4] =	sst s6  }
0xf: {  	[smem:$0x3FA5] =	sst s7  }
0x10: {  	[smem:$0x3FA6] =	sst s8  }
0x11: {  	[smem:$0x3FA7] =	sst s9;
	s0 =	simm.s32 @!p0 $0x0  }
0x12: {  	s1 =	sld [smem:$0x3F8D];
	s0 =	simm.s32 @p0 $0x1  }
0x13: {  	[smem:$0x3FA8] =	sst s0;
	s0 =	simm.s32 @!p1 $0x0  }
0x14: {  	s2 =	sld [smem:$0x3F8C];
	s0 =	simm.s32 @p1 $0x1  }
0x15: {  	[smem:$0x3FA9] =	sst s0;
	s0 =	simm.s32 @!p2 $0x0  }
0x16: {  	s3 =	sld [smem:$0x3FDB];
	s0 =	simm.s32 @p2 $0x1  }
0x17: {  	s4 =	simm.s32 $0x1BF5;
	[smem:$0x3FAB] =	sst s0  }
0x18: {  	s0 =	sld [smem:$0x3F8E];
	_ =	swait.ge [sflag:s4], $0x0  }
0x19: {  	s7 =	sld [smem:$0x3F8F]  }
0x1a: {  	s8 =	sadd.s32 $0xFFFFE003, lr  }
0x1b: {  	s9 =	sadd.s32 $0xFFFFFEF7, lr;
	s5 =	simm.s32 $0xFFFFFFFF;
	p2 =	slt.u32 s8, $0xFFFFF086  }
0x1c: {  	p1 =	slt.u32 s9, $0xF7A;
	s5 =	simm.s32 @!p2 $0x0  }
0x1d: {  	s5 =	simm.s32 @p1 $0x1;
	p0 =	seq.s32 s7, s2  }
0x1e: {  	s7 =	smul.u32 @!p0 $0xF7A, s2;
	p2 =	seq.s32 @!p0 s5, $0x0  }
0x1f: {  	s9 =	smul.u32 $0xF7A, s1;
	s8 =	simm.s32 @!p0 $0x1BF5;
	p2 =	por !p2, p0  }
0x20: {  	[sflag:s8] =	ssyncset.s32 @!p0 $0xFFFFF086;
	s6 =	sadd.s32 @!p0 s3, s7;
	s7 =	simm.s32 @!p0 $0x108  }
0x21: {  	s3 =	sadd.s32 s3, s9;
	s6 =	sadd.s32 @!p0 $0x88, s6;
	s7 =	simm.s32 @p2 $0x1082  }
0x22: {  	[simem:s7], [sflag:s8] =	dma.local @!p0 [hbm:s6], $0xF7A  }
0x23: {  	s9 =	sor.u32 $0xD0000000, s2;
	s6 =	simm.s32 $0x108;
	_ =	swait.ge @!p0 [sflag:s8], $0x0  }
0x24: {  	s3 =	sadd.s32 $0x88, s3;
	s6 =	simm.s32 @!p1 $0x1082;
	[sflag:s4] =	ssyncset.s32 $0xFFFFF086  }
0x25: {  	[simem:s6], [sflag:s4] =	dma.local [hbm:s3], $0xF7A  }
0x26: {  	[smem:$0x3F8F] =	sst s1;
	(tag) =	ssettag s2;
	_ =	strace s9  }
0x27: {  	s1 =	sld [smem:$0x3F9F]  }
0x28: {  	s2 =	sld [smem:$0x3FA0]  }
0x29: {  	s4 =	sld [smem:$0x3FA2]  }
0x2a: {  	p0 =	seq.s32 s5, $0x0;
	s5 =	sld [smem:$0x3FA3]  }
0x2b: {  	s6 =	sld [smem:$0x3FA4]  }
0x2c: {  	s7 =	sld [smem:$0x3FA5]  }
0x2d: {  	s3 =	simm.s32 $0x108;
	s8 =	sld [smem:$0x3FA6]  }
0x2e: {  	s3 =	simm.s32 @!p0 $0x1082;
	s9 =	sld [smem:$0x3FA7]  }
0x2f: {  	lr =	sadd.s32 s0, s3;
	s0 =	sld [smem:$0x3F9E]  }
0x30: {  	s3 =	sld [smem:$0x3FA1]  }
0x31: {  	[smem:$0x3FAA] =	sst s10  }
0x32: {  	s10 =	sld [smem:$0x3FA8];
	_ =	sdelay $0x3  }
0x33: {  	p0 =	seq.s32 s10, $0x1;
	s10 =	sld [smem:$0x3FAA];
	_ =	sdelay $0x3  }
0x34: {  	[smem:$0x3FAA] =	sst s10  }
0x35: {  	s10 =	sld [smem:$0x3FA9];
	_ =	sdelay $0x3  }
0x36: {  	p1 =	seq.s32 s10, $0x1;
	s10 =	sld [smem:$0x3FAA];
	_ =	sdelay $0x3  }
0x37: {  	[smem:$0x3FAA] =	sst s10  }
0x38: {  	s10 =	sld [smem:$0x3FAB]  }
0x39: {  	_ = 	snop;
	(pc) =	sbr.ind lr, $3  }
0x3a: {  	_ = 	snop  }
0x3b: {  	_ = 	snop  }
0x3c: {  	p2 =	seq.s32 s10, $0x1;
	s10 =	sld [smem:$0x3FAA]  }
0x3d: {  	_ =	shalt  }
0x3e: {  	_ =	shalt  }
0x3f: {  	_ =	shalt  }
0x40: {  	_ =	shalt  }
0x41: {  	_ =	shalt  }
0x42: {  	_ =	shalt  }
0x43: {  	_ =	shalt  }
0x44: {  	_ =	shalt  }
0x45: {  	_ =	shalt  }
0x46: {  	_ =	shalt  }
0x47: {  	_ =	shalt  }
0x48: {  	_ =	shalt  }
0x49: {  	_ =	shalt  }
0x4a: {  	_ =	shalt  }
0x4b: {  	_ =	shalt  }
0x4c: {  	_ =	shalt  }
0x4d: {  	_ =	shalt  }
0x4e: {  	_ =	shalt  }
0x4f: {  	_ =	shalt  }
0x50: {  	_ =	shalt  }
0x51: {  	_ =	shalt  }
0x52: {  	_ =	shalt  }
0x53: {  	_ =	shalt  }
0x54: {  	_ =	shalt  }
0x55: {  	_ =	shalt  }
0x56: {  	_ =	shalt  }
0x57: {  	_ =	shalt  }
0x58: {  	_ =	shalt  }
0x59: {  	_ =	shalt  }
0x5a: {  	_ =	shalt  }
0x5b: {  	_ =	shalt  }
0x5c: {  	_ =	shalt  }
0x5d: {  	_ =	shalt  }
0x5e: {  	_ =	shalt  }
0x5f: {  	_ =	shalt  }
0x60: {  	_ =	shalt  }
0x61: {  	_ =	shalt  }
0x62: {  	_ =	shalt  }
0x63: {  	_ =	shalt  }
0x64: {  	_ =	shalt  }
0x65: {  	_ =	shalt  }
0x66: {  	_ =	shalt  }
0x67: {  	_ =	shalt  }
0x68: {  	_ =	shalt  }
0x69: {  	_ =	shalt  }
0x6a: {  	_ =	shalt  }
0x6b: {  	_ =	shalt  }
0x6c: {  	_ =	shalt  }
0x6d: {  	_ =	shalt  }
0x6e: {  	_ =	shalt  }
0x6f: {  	_ =	shalt  }
0x70: {  	_ =	shalt  }
0x71: {  	_ =	shalt  }
0x72: {  	_ =	shalt  }
0x73: {  	_ =	shalt  }
0x74: {  	_ =	shalt  }
0x75: {  	_ =	shalt  }
0x76: {  	_ =	shalt  }
0x77: {  	_ =	shalt  }
0x78: {  	_ =	shalt  }
0x79: {  	_ =	shalt  }
0x7a: {  	_ =	shalt  }
0x7b: {  	_ =	shalt  }
0x7c: {  	_ =	shalt  }
0x7d: {  	_ =	shalt  }
0x7e: {  	_ =	shalt  }
0x7f: {  	_ =	shalt  }
0x80: {  	_ =	shalt  }
0x81: {  	_ =	shalt  }
0x82: {  	_ =	shalt  }
0x83: {  	_ =	shalt  }
0x84: {  	_ =	shalt  }
0x85: {  	_ =	shalt  }
0x86: {  	_ =	shalt  }
0x87: {  	_ =	shalt  }
.Lfunc_end0:
.L_simem_size_0:
called_computation_lowered:
.L_overlay_start_0:
0x88: {  	s2 =	sld [smem:$0x3FD9]  }
0x89: {  	s3 =	sld [smem:$0x3FFE];
	_ =	sdelay $0x1  }
0x8a: {  	s1 =	srdreg.scid  }
0x8b: {  	s0 =	sand.u32 $0x1, s1  }
0x8c: {  	s16 =	sshll.u32 s0, $0xA;
	s2 =	sadd.s32 s3, s2  }
0x8d: {  	s2 =	sadd.s32 s2, s16  }
0x8e: {  	[smem:$0x3FB6] =	sst s2  }
0x8f: {  	_ = 	snop  }
0x90: {  	(tm) =	ssettm $0x1  }
0x91: {  	s17 =	sld [smem:$0x3FFB];
	_ =	sdelay $0x3  }
0x92: {  	_ =	strace s17  }
0x93: {  	s2 =	sld [smem:$0x3FFC];
	_ =	sdelay $0x3  }
0x94: {  	_ =	strace s2  }
0x95: {  	s2 =	sld [smem:$0x3FFD];
	_ =	sdelay $0x3  }
0x96: {  	_ =	strace s2  }
0x97: {  	_ =	strace $0x8FFFFFFF  }
0x98: {  	s18 =	sld [smem:$0x3FDB];
	_ =	sdelay $0x1  }
0x99: {  	s19 =	simm.s32 $_scs_section_size  }
0x9a: {  	s4 =	simm.s32 $_size__tile_overlayer_lowered;
	s5 =	simm.s32 $_tile_overlayer_lowered  }
0x9b: {  	s22 =	simm.s32 $0x1BFF;
	s21 =	sshll.u32 s5, $0x1;
	s2 =	sadd.s32 s19, s18  }
0x9c: {  	s6 =	simm.s32 $0x0;
	s20 =	sshll.u32 s4, $0x1;
	s4 =	sadd.s32 s21, s2  }
0x9d: {  	[timem:s6], [sflag:s22] =	dma.local [hbm:s4], s20  }
0x9e: {  	_ =	swait.ge [sflag:s22], s20  }
0x9f: {  	s3 =	ssub.s32 $0x0, s20;
	[sflag:s22] =	ssyncset.done $0x0  }
0xa0: {  	[sflag:s22] =	ssyncadd.s32 s3;
	_ =	sdelay $0x1  }
0xa1: {  	s23 =	simm.s32 $0x1B8B  }
0xa2: {  	_ =	swait.ge [sflag:s23], $0x1  }
0xa3: {  	[sflag:s23] =	ssyncset.done $0x0  }
0xa4: {  	s25 =	simm.s32 $0x1B8E;
	s24 =	sld [smem:$0x3FFE];
	[sflag:s23] =	ssyncadd.s32 $0xFFFFFFFF  }
0xa5: {  	s26 =	simm.s32 $execute0_lowered;
	[smem:$0x3FD2] =	sst s25  }
0xa6: {  	s4 =	sshll.u32 s26, $0x1;
	_ =	strace $0x80000046;
	[dreg:$0x1] =	wrdreg $0xFFFFFFFF  }
0xa7: {  	s28 =	simm.s32 $_size_execute0_lowered;
	s2 =	sadd.s32 s2, s4;
	[dreg:$0x0] =	wrdreg $0x0  }
0xa8: {  	s4 =	sshll.u32 s28, $0x1;
	[dreg:$0x2] =	wrdreg s2  }
0xa9: {  	[dreg:$0x3] =	wrdreg s4  }
0xaa: {  	[dreg:$0x4] =	wrdreg $0xC0  }
0xab: {  	_ =	task [dreg:s6], $0x5FFFF  }
0xac: {  	[dreg:$0x1] =	wrdreg $0xFFFFFFFF  }
0xad: {  	[dreg:$0x0] =	wrdreg $0x60  }
0xae: {  	[dreg:$0x2] =	wrdreg s24  }
0xaf: {  	[dreg:$0x3] =	wrdreg $0x51800  }
0xb0: {  	[dreg:$0x4] =	wrdreg $0x61800  }
0xb1: {  	[dreg:$0x5] =	wrdreg $0x71800  }
0xb2: {  	[dreg:$0x6] =	wrdreg $0x9  }
0xb3: {  	_ =	task.clear_ibuf [dreg:s6], $0x7FFFF;
	_ =	strace $0x90000046  }
0xb4: {  	s29 =	simm.s32 $0x9;
	_ =	strace $0x80000048  }
0xb5: {  	_ =	swait.ge [sflag:s29], $0x1  }
0xb6: {  	[sflag:s29] =	ssyncadd.s32 $0xFFFFFFFF  }
0xb7: {  	_ =	strace $0x90000048  }
0xb8: {  	_ =	sfence  }
0xb9: {  	s30 =	sld [smem:$0x0];
	_ =	sdelay $0x2  }
0xba: {  	s31 =	sshll.u32 s1, $0xD;
	s1 =	sshrl.u32 s1, $0x2  }
0xbb: {  	s3 =	sand.u32 $0x4000, s31;
	s1 =	sadd.s32 s1, s30  }
0xbc: {  	s0 =	sor.u32 s3, s0;
	s1 =	sshll.u32 s1, $0x11  }
0xbd: {  	s0 =	sor.u32 s1, s0  }
0xbe: {  	s0 =	sadd.s32 $0x8F2B, s0  }
0xbf: {  	[sflag:s0] =	ssyncadd.remote.s32 $0x1  }
0xc0: {  	_ =	sfence.sel $0xFFFF  }
0xc1: {  	[dreg:$0x0] =	wrdreg $0xFFFFFFFF;
	(pc) =	sbr.abs _section_cstart, $3  }
0xc2: {  	[dreg:$0x1] =	wrdreg $0xFFFFFFFF  }
0xc3: {  	_ =	task.clear_ibuf [dreg:s6], $0x2FFFF;
	_ =	strace $0x9FFFFFFF  }
0xc4: {  	(tm) =	ssettm $0x7FFFFFFF  }
0xc5: {  	_ =	shalt  }
tec
execute0_lowered:
.L_overlay_start_1:
0x0: {  	(tag) =	ssettag $0x1  }
0x1: {  	s2 =	rddreg [dreg:$0x0]  }
0x2: {  	s1 =	rddreg [dreg:$0x1];
	s0 =	srdreg.scid  }
0x3: {  	s3 =	rddreg [dreg:$0x2];
	s22 =	stileid.u32  }
0x4: {  	s4 =	rddreg [dreg:$0x3];
	s5 =	simm.s32 $0x0;
	s20 =	simm.s32 $0x2  }
0x5: {  	s28 =	simm.s32 $0x100;
	s29 =	simm.s32 $0x0;
	s8 =	sand.u32 $0x1, s0  }
0x6: {  	s7 =	smul.u32 $0x2800, s22;
	[smem:$0x7FF] =	sst s5;
	s23 =	sadd.s32 $0x4AC00, s2  }
0x7: {  	s9 =	smul.u32 $0x14000, s22;
	s10 =	sshll.u32 s22, $0x9;
	s11 =	sshll.u32 s22, $0xC  }
0x8: {  	s25 =	smul.u32 $0x50000, s22;
	s26 =	sshll.u32 s22, $0x6;
	s22 =	simm.s32 $0x2980  }
0x9: {  	s6 =	smul.u32 $0x28000, s8;
	_ =	strace $0x80000047;
	[dreg:$0x5] =	wrdreg s23  }
0xa: {  	s12 =	sshll.u32 s8, $0x10;
	s14 =	smul.u32 $0x140000, s8;
	s10 =	sadd.s32 s10, s2  }
0xb: {  	s8 =	ssub.s32 $0x2, s8;
	s19 =	sadd.s32 s11, s1;
	s21 =	sadd.s32 s11, s3  }
0xc: {  	s23 =	simm.s32 $0x50;
	s13 =	sshrl.u32 s9, $0x3;
	s12 =	sor.u32 s11, s12  }
0xd: {  	s24 =	sshrl.u32 s8, $0x1;
	s30 =	sshrl.u32 s25, $0x2;
	s19 =	sshrl.u32 s19, $0x3  }
0xe: {  	s21 =	sshrl.u32 s21, $0x3;
	s25 =	simm.s32 $0x1;
	s7 =	sadd.s32 s7, s6  }
0xf: {  	s6 =	sadd.s32 $0x4C00, s2;
	s13 =	sadd.s32 s13, s2;
	s12 =	sshrl.u32 s12, $0x3  }
0x10: {  	s9 =	sadd.s32 s9, s14;
	s16 =	ssub.s32 s8, s24;
	s8 =	sadd.s32 $0x4B200, s10  }
0x11: {  	s31 =	sadd.s32 s30, s4;
	s24 =	simm.s32 $0x180;
	s7 =	sshrl.u32 s7, $0x3  }
0x12: {  	s15 =	sadd.s32 s12, s2;
	s9 =	sshrl.u32 s9, $0x3;
	[dreg:$0x6] =	wrdreg s31  }
0x13: {  	s11 =	sadd.s32 $0x4D200, s13;
	s18 =	sadd.s32 s7, s2;
	s2 =	sadd.s32 s9, s2  }
0x14: {  	s9 =	sor.u32 $0x1C02, s26;
	s12 =	sadd.s32 $0x75200, s15;
	s13 =	sadd.s32 $0x79200, s15  }
0x15: {  	s15 =	smax.u32 s16, $0x1;
	s26 =	simm.s32 $0x80;
	s14 =	sadd.s32 $0x7D200, s2  }
0x16: {  	s16 =	sadd.s32 $0x40C00, s18;
	s17 =	sadd.s32 $0x2CC00, s18;
	s18 =	sadd.s32 $0x36C00, s18  }
.LBB2_1:
0x17: {  	[spmem:s19], [sflag:s9] =	dma.local [hbm:s8], $0x200  }
0x18: {  	_ =	swait.ge [sflag:s20], $0x200  }
0x19: {  	[sflag:s20] =	ssyncset.done $0x0  }
0x1a: {  	[sflag:s20] =	ssyncadd.s32 $0xFFFFFE00  }
0x1b: {  	[spmem:s21], [sflag:s9] =	dma.local [hbm:s8], $0x200  }
0x1c: {  	_ =	swait.ge [sflag:s20], $0x200  }
0x1d: {  	[sflag:s20] =	ssyncset.done $0x0;
	s0 =	rddreg [dreg:$0x6]  }
0x1e: {  	[sflag:s20] =	ssyncadd.s32 $0xFFFFFE00;
	s30 =	sshrl.u32 s0, $0x3  }
0x1f: {  	[spmem:s30], [sflag:s9] =	dma.local [hbm:s11], $0x2800  }
0x20: {  	_ =	swait.ge [sflag:s20], $0x2800  }
0x21: {  	[sflag:s20] =	ssyncset.done $0x0  }
0x22: {  	s2 =	rddreg [dreg:$0x5];
	[sflag:s20] =	ssyncadd.s32 $0xFFFFD800  }
0x23: {  	[tilespmem:s22], [sflag:$0x2] =	stream.linear.gather [hbm4b:s2+s5], $0x2800, $0x38;
	[tilespmem:$0x1B180] =	vst v63  }
0x24: {  	_ =	swait.ge [sflag:s20], $0x2800  }
0x25: {  	[sflag:s20] =	ssyncset.done $0x0  }
0x26: {  	[sflag:s20] =	ssyncadd.s32 $0xFFFFD800  }
0x27: {  	s2 =	sadd.s32 $0x0, s18;
	[bflag:$0x0] =	sbarrier.arrive $0xFFFF  }
0x28: {  	[tilespmem:s5], [sflag:$0x2] =	stream.linear.gather [hbm4b:s2+s5], $0x50, $0x38;
	[tilespmem:$0x1B180] =	vst v63  }
0x29: {  	_ =	swait.ge [sflag:s20], $0x50  }
0x2a: {  	[sflag:s20] =	ssyncset.done $0x0  }
0x2b: {  	[sflag:s20] =	ssyncadd.s32 $0xFFFFFFB0  }
0x2c: {  	[tilespmem:s24], [sflag:$0x1] =	stream.indirect.gather [hbm4b:s6+s23], $0x80, s5, s23, $0xb8;
	[tilespmem:$0x1B180] =	vst v63  }
0x2d: {  	_ =	swait.ge [sflag:s25], $0x2800  }
0x2e: {  	[sflag:s25] =	ssyncset.done $0x0  }
0x2f: {  	s7 =	sadd.s32 $0x0, s17;
	[sflag:s25] =	ssyncadd.s32 $0xFFFFD800  }
0x30: {  	[tilespmem:s26], [sflag:$0x2] =	stream.linear.gather [hbm4b:s7+s5], $0x50, $0x38;
	[tilespmem:$0x1B180] =	vst v63  }
0x31: {  	_ =	swait.ge [sflag:s20], $0x50  }
0x32: {  	[sflag:s20] =	ssyncset.done $0x0  }
0x33: {  	s10 =	sadd.s32 $0x0, s16;
	[sflag:s20] =	ssyncadd.s32 $0xFFFFFFB0  }
0x34: {  	[tilespmem:s28], [sflag:$0x2] =	stream.linear.gather [hbm4b:s10+s5], $0x50, $0x38;
	[tilespmem:$0x1B180] =	vst v63  }
0x35: {  	_ =	swait.ge [sflag:s20], $0x50  }
0x36: {  	[sflag:s20] =	ssyncset.done $0x0  }
0x37: {  	[sflag:s20] =	ssyncadd.s32 $0xFFFFFFB0  }
0x38: {  	[spmem:s1] =	stream.indirect.scatter.add.f32 [tilespmem:s24], [sflag:$0x2], $0x80, s26, s23, $0xb8;
	[tilespmem:$0x1B180] =	vst v63  }
0x39: {  	_ =	swait.ge [sflag:s20], $0x2800  }
0x3a: {  	[sflag:s20] =	ssyncset.done $0x0  }
0x3b: {  	[sflag:s20] =	ssyncadd.s32 $0xFFFFD800  }
0x3c: {  	[spmem:s3] =	stream.indirect.scatter.add.f32 [tilespmem:s22], [sflag:$0x2], $0x80, s26, s23, $0xb8;
	[tilespmem:$0x1B180] =	vst v63  }
0x3d: {  	_ =	swait.ge [sflag:s20], $0x2800  }
0x3e: {  	[sflag:s20] =	ssyncset.done $0x0  }
0x3f: {  	[sflag:s20] =	ssyncadd.s32 $0xFFFFD800  }
0x40: {  	[spmem:s4] =	stream.indirect.scatter.add.f32 [tilespmem:s22], [sflag:$0x2], $0x80, s28, s23, $0xb8;
	[tilespmem:$0x1B180] =	vst v63  }
0x41: {  	_ =	swait.ge [sflag:s20], $0x2800  }
0x42: {  	s31 =	simm.s32 $0xA;
	s2 =	simm.s32 $0x14;
	[sflag:s20] =	ssyncset.done $0x0  }
.LBB2_2:
0x43: {  	s0 =	sadd.s32 s31, s18  }
0x44: {  	[sflag:s20] =	ssyncadd.s32 $0xFFFFD800;
	s7 =	smov.u32 s2;
	s10 =	sadd.s32 $0xA, s2  }
0x45: {  	[tilespmem:s5], [sflag:$0x2] =	stream.linear.gather [hbm4b:s0+s5], $0x50, $0x38;
	[tilespmem:$0x1B180] =	vst v63  }
0x46: {  	p0 =	sne.s32 s2, $0x4F6;
	_ =	swait.ge [sflag:s20], $0x50  }
0x47: {  	[sflag:s20] =	ssyncset.done $0x0  }
0x48: {  	[sflag:s20] =	ssyncadd.s32 $0xFFFFFFB0  }
0x49: {  	[tilespmem:s24], [sflag:$0x1] =	stream.indirect.gather [hbm4b:s6+s23], $0x80, s5, s23, $0xb8;
	[tilespmem:$0x1B180] =	vst v63  }
0x4a: {  	_ =	swait.ge [sflag:s25], $0x2800  }
0x4b: {  	[sflag:s25] =	ssyncset.done $0x0  }
0x4c: {  	s0 =	sadd.s32 s31, s17;
	[sflag:s25] =	ssyncadd.s32 $0xFFFFD800  }
0x4d: {  	[tilespmem:s26], [sflag:$0x2] =	stream.linear.gather [hbm4b:s0+s5], $0x50, $0x38;
	[tilespmem:$0x1B180] =	vst v63  }
0x4e: {  	_ =	swait.ge [sflag:s20], $0x50  }
0x4f: {  	[sflag:s20] =	ssyncset.done $0x0  }
0x50: {  	s0 =	sadd.s32 s31, s16;
	s31 =	smov.u32 s7;
	[sflag:s20] =	ssyncadd.s32 $0xFFFFFFB0  }
0x51: {  	[tilespmem:s28], [sflag:$0x2] =	stream.linear.gather [hbm4b:s0+s5], $0x50, $0x38;
	[tilespmem:$0x1B180] =	vst v63  }
0x52: {  	_ =	swait.ge [sflag:s20], $0x50  }
0x53: {  	[sflag:s20] =	ssyncset.done $0x0  }
0x54: {  	[sflag:s20] =	ssyncadd.s32 $0xFFFFFFB0  }
0x55: {  	[spmem:s1] =	stream.indirect.scatter.add.f32 [tilespmem:s24], [sflag:$0x2], $0x80, s26, s23, $0xb8;
	[tilespmem:$0x1B180] =	vst v63  }
0x56: {  	_ =	swait.ge [sflag:s20], $0x2800  }
0x57: {  	[sflag:s20] =	ssyncset.done $0x0  }
0x58: {  	[sflag:s20] =	ssyncadd.s32 $0xFFFFD800  }
0x59: {  	[spmem:s3] =	stream.indirect.scatter.add.f32 [tilespmem:s22], [sflag:$0x2], $0x80, s26, s23, $0xb8;
	[tilespmem:$0x1B180] =	vst v63  }
0x5a: {  	_ =	swait.ge [sflag:s20], $0x2800  }
.Ltmp0:
0x5b: {  	[sflag:s20] =	ssyncset.done $0x0;
	(pc) =	sbr.rel @p0 .LBB2_2-.Ltmp0, $4  }
0x5c: {  	[sflag:s20] =	ssyncadd.s32 $0xFFFFD800  }
0x5d: {  	[spmem:s4] =	stream.indirect.scatter.add.f32 [tilespmem:s22], [sflag:$0x2], $0x80, s28, s23, $0xb8;
	[tilespmem:$0x1B180] =	vst v63  }
0x5e: {  	_ =	swait.ge [sflag:s20], $0x2800  }
0x5f: {  	s2 =	smov.u32 s10;
	[sflag:s20] =	ssyncset.done $0x0  }
0x60: {  	s0 =	sadd.s32 s31, s18;
	[sflag:s20] =	ssyncadd.s32 $0xFFFFD800  }
0x61: {  	[tilespmem:s5], [sflag:$0x2] =	stream.linear.gather [hbm4b:s0+s5], $0x50, $0x38;
	[tilespmem:$0x1B180] =	vst v63  }
0x62: {  	_ =	swait.ge [sflag:s20], $0x50  }
0x63: {  	[sflag:s20] =	ssyncset.done $0x0  }
0x64: {  	[sflag:s20] =	ssyncadd.s32 $0xFFFFFFB0  }
0x65: {  	[tilespmem:s24], [sflag:$0x1] =	stream.indirect.gather [hbm4b:s6+s23], $0x80, s5, s23, $0xb8;
	[tilespmem:$0x1B180] =	vst v63  }
0x66: {  	_ =	swait.ge [sflag:s25], $0x2800  }
0x67: {  	[sflag:s25] =	ssyncset.done $0x0  }
0x68: {  	s10 =	sadd.s32 s31, s17;
	[sflag:s25] =	ssyncadd.s32 $0xFFFFD800  }
0x69: {  	[tilespmem:s26], [sflag:$0x2] =	stream.linear.gather [hbm4b:s10+s5], $0x50, $0x38;
	[tilespmem:$0x1B180] =	vst v63  }
0x6a: {  	_ =	swait.ge [sflag:s20], $0x50  }
0x6b: {  	[sflag:s20] =	ssyncset.done $0x0  }
0x6c: {  	s31 =	sadd.s32 s31, s16;
	[sflag:s20] =	ssyncadd.s32 $0xFFFFFFB0  }
0x6d: {  	[tilespmem:s28], [sflag:$0x2] =	stream.linear.gather [hbm4b:s31+s5], $0x50, $0x38;
	[tilespmem:$0x1B180] =	vst v63  }
0x6e: {  	_ =	swait.ge [sflag:s20], $0x50  }
0x6f: {  	[sflag:s20] =	ssyncset.done $0x0  }
0x70: {  	[sflag:s20] =	ssyncadd.s32 $0xFFFFFFB0  }
0x71: {  	[spmem:s1] =	stream.indirect.scatter.add.f32 [tilespmem:s24], [sflag:$0x2], $0x80, s26, s23, $0xb8;
	[tilespmem:$0x1B180] =	vst v63  }
0x72: {  	_ =	swait.ge [sflag:s20], $0x2800  }
0x73: {  	[sflag:s20] =	ssyncset.done $0x0  }
0x74: {  	[sflag:s20] =	ssyncadd.s32 $0xFFFFD800  }
0x75: {  	[spmem:s3] =	stream.indirect.scatter.add.f32 [tilespmem:s22], [sflag:$0x2], $0x80, s26, s23, $0xb8;
	[tilespmem:$0x1B180] =	vst v63  }
0x76: {  	_ =	swait.ge [sflag:s20], $0x2800  }
0x77: {  	[sflag:s20] =	ssyncset.done $0x0  }
0x78: {  	[sflag:s20] =	ssyncadd.s32 $0xFFFFD800  }
0x79: {  	[spmem:s4] =	stream.indirect.scatter.add.f32 [tilespmem:s22], [sflag:$0x2], $0x80, s28, s23, $0xb8;
	[tilespmem:$0x1B180] =	vst v63  }
0x7a: {  	_ =	swait.ge [sflag:s20], $0x2800  }
0x7b: {  	[sflag:s20] =	ssyncset.done $0x0  }
0x7c: {  	[sflag:s20] =	ssyncadd.s32 $0xFFFFD800  }
0x7d: {  	[bflag:$0x0] =	sbarrier.arrive $0xFFFF  }
0x7e: {  	[hbm:s12], [sflag:s9] =	dma.local [spmem:s19], $0x200  }
0x7f: {  	_ =	swait.ge [sflag:s20], $0x200  }
0x80: {  	[sflag:s20] =	ssyncset.done $0x0  }
0x81: {  	[sflag:s20] =	ssyncadd.s32 $0xFFFFFE00  }
0x82: {  	[hbm:s13], [sflag:s9] =	dma.local [spmem:s21], $0x200  }
0x83: {  	s29 =	sadd.s32 $0x1, s29;
	_ =	swait.ge [sflag:s20], $0x200  }
0x84: {  	p0 =	sne.s32 s29, s15;
	[sflag:s20] =	ssyncset.done $0x0  }
.Ltmp1:
0x85: {  	[sflag:s20] =	ssyncadd.s32 $0xFFFFFE00;
	(pc) =	sbr.rel @p0 .LBB2_1-.Ltmp1, $4  }
0x86: {  	[hbm:s14], [sflag:s9] =	dma.local [spmem:s30], $0x2800  }
0x87: {  	_ =	swait.ge [sflag:s20], $0x2800  }
0x88: {  	[sflag:s20] =	ssyncset.done $0x0  }
0x89: {  	[sflag:s20] =	ssyncadd.s32 $0xFFFFD800  }
0x8a: {  	_ =	sfence.sel $0x180000  }
0x8b: {  	[bflag:$0x0] =	sbarrier.arrive $0xFFFF  }
0x8c: {  	_ =	strace $0x90000047  }
0x8d: {  	s0 =	stileid.u32;
	[bflag:$0x2] =	sbarrier.arrive $0xFFFF  }
0x8e: {  	p0 =	sne.s32 s0, $0x0;
	s0 =	rddreg [dreg:$0x4]  }
0x8f: {  	s0 =	sadd.s32 @!p0 $0x100000, s0  }
0x90: {  	[sflag:s0] =	ssyncadd.tile.s32 @!p0 $0x1;
	_ =	shalt  }
.Lfunc_end2:
_tile_overlayer_lowered:
.L_overlay_start_2:
0x91: {  	(tag) =	ssettag $0x2  }
0x92: {  	s0 =	rddreg [dreg:$0x0];
	s2 =	stileid.u32  }
0x93: {  	s1 =	rddreg [dreg:$0x1];
	p0 =	sne.s32 s2, $0x0  }
0x94: {  	s3 =	rddreg [dreg:$0x2];
	[bflag:$0x3] =	sbarrier.arrive $0xFFFF;
	s2 =	simm.s32 @!p0 $0x1C02  }
0x95: {  	[timem:s3], [sflag:s2] =	dma.local @!p0 [hbm:s0], s1  }
0x96: {  	s0 =	simm.s32 @!p0 $0x2  }
0x97: {  	_ =	swait.ge @!p0 [sflag:s0], s1  }
0x98: {  	s1 =	ssub.s32 @!p0 $0x0, s1;
	[sflag:s0] =	ssyncset.done @!p0 $0x0  }
0x99: {  	[sflag:s0] =	ssyncadd.s32 @!p0 s1  }
0x9a: {  	[bflag:$0x3] =	sbarrier.arrive $0xFFFF  }
0x9b: {  	_ =	shalt  }

</sc_bundles>
